<compile_context>
chip_gen: v7x
topology: tpu7x:2x2x1
jax: 0.10.2.dev20260603
libtpu: 0.0.44.dev20260713+nightly
codegen_flags: <defaults>
</compile_context>

<pallas_src>
import jax
import jax.numpy as jnp
import ml_dtypes
import numpy as np
from jax.experimental import pallas as pl
from jax.experimental.pallas import tpu as pltpu

_B = 4096
_D = 128
_BLK = 256
_NBLK = _B // _BLK


_SUB = 256
_NSUB = _BLK // _SUB


def _loss_body(lpi_ref, g0_ref, lpt_ref, g1_ref, img_ref, txt_ref, w_ref,
               b_ref, out_ref, u_scr, v_scr, ub_scr, vb_scr, acc_scr):
    i = pl.program_id(0)

    @pl.when(i == 0)
    def _init():
        w = w_ref[...]
        u = jnp.dot(img_ref[...], w[:_D], preferred_element_type=jnp.float32)
        v = jnp.dot(txt_ref[...], w[_D:], preferred_element_type=jnp.float32)
        u_scr[...] = u
        v_scr[...] = v
        ub_scr[...] = u.astype(jnp.bfloat16)
        vb_scr[...] = v.astype(jnp.bfloat16)
        acc_scr[0] = 0.0

    def nll_sum(z, label_col):
        m = jnp.max(z, axis=1, keepdims=True)
        lse = m + jnp.log(jnp.sum(jnp.exp(z - m), axis=1, keepdims=True))
        return jnp.sum(lse - z[:, label_col:label_col + 1])

    ub = ub_scr[...]
    vb = vb_scr[...]
    b = b_ref[...]

    def half(h, total):
        sub = pl.ds(h * _SUB, _SUB)

        def sample_onehot(l_ref, g_ref):
            s = l_ref[sub, :] + g_ref[sub, :].astype(jnp.float32)
            return (s == jnp.max(s, axis=1, keepdims=True)).astype(jnp.bfloat16)

        oh_t = sample_onehot(lpi_ref, g0_ref)
        oh_i = sample_onehot(lpt_ref, g1_ref)
        vg = jnp.dot(oh_t, vb, preferred_element_type=jnp.float32)
        ug = jnp.dot(oh_i, ub, preferred_element_type=jnp.float32)

        r = pl.ds(i * _BLK + h * _SUB, _SUB)
        u_blk = u_scr[r, :]
        v_blk = v_scr[r, :]
        return total + (nll_sum(u_blk + v_blk + b, 1)
                        + nll_sum(u_blk + vg + b, 0)
                        + nll_sum(ug + v_blk + b, 0))

    if _NSUB == 1:
        acc_scr[0] += half(0, 0.0)
    else:
        acc_scr[0] += jax.lax.fori_loop(0, _NSUB, half, 0.0)

    @pl.when(i == _NBLK - 1)
    def _final():
        out_ref[0, 0] = acc_scr[0] / (3.0 * _B)


def _pallas_loss(lpi, g0, lpt, g1, img, txt, w, b2, interpret=False):
    row_spec = pl.BlockSpec((_BLK, _B), lambda i: (i, 0))
    full_feat = pl.BlockSpec((_B, _D), lambda i: (0, 0))
    return pl.pallas_call(
        _loss_body,
        grid=(_NBLK,),
        in_specs=[
            row_spec, row_spec, row_spec, row_spec,
            full_feat, full_feat,
            pl.BlockSpec((2 * _D, 2), lambda i: (0, 0)),
            pl.BlockSpec((1, 2), lambda i: (0, 0)),
        ],
        out_specs=pl.BlockSpec(memory_space=pltpu.SMEM),
        out_shape=jax.ShapeDtypeStruct((1, 1), jnp.float32),
        scratch_shapes=[
            pltpu.VMEM((_B, 2), jnp.float32),
            pltpu.VMEM((_B, 2), jnp.float32),
            pltpu.VMEM((_B, 2), jnp.bfloat16),
            pltpu.VMEM((_B, 2), jnp.bfloat16),
            pltpu.SMEM((1,), jnp.float32),
        ],
        interpret=interpret,
    )(lpi, g0, lpt, g1, img, txt, w, b2)




def _threefry2x32(k0, k1, x0, x1):
    ks0, ks1 = np.uint32(k0), np.uint32(k1)
    ks2 = np.uint32(ks0 ^ ks1 ^ np.uint32(0x1BD11BDA))

    def rotl(x, r):
        return (x << np.uint32(r)) | (x >> np.uint32(32 - r))

    def rounds(a, b, rots):
        for r in rots:
            a = (a + b).astype(np.uint32)
            b = rotl(b, r)
            b = a ^ b
        return a, b

    ra, rb = (13, 15, 26, 6), (17, 29, 16, 24)
    x0 = (x0 + ks0).astype(np.uint32)
    x1 = (x1 + ks1).astype(np.uint32)
    for j, (rots, ka, kb) in enumerate(
            [(ra, ks1, ks2), (rb, ks2, ks0), (ra, ks0, ks1),
             (rb, ks1, ks2), (ra, ks2, ks0)]):
        x0, x1 = rounds(x0, x1, rots)
        x0 = (x0 + ka).astype(np.uint32)
        x1 = (x1 + kb + np.uint32(j + 1)).astype(np.uint32)
    return x0, x1


def _gumbel_table(k0, k1):
    cnt = np.arange(_B * _B, dtype=np.uint32)
    o0, o1 = _threefry2x32(k0, k1, np.zeros(_B * _B, np.uint32), cnt)
    bits = o0 ^ o1
    f = ((bits >> np.uint32(9)) | np.uint32(0x3F800000)).view(np.float32)
    f = f - np.float32(1.0)
    tiny = np.float32(np.finfo(np.float32).tiny)
    u = np.maximum(tiny, f * (np.float32(1.0) - tiny) + tiny)
    g = -np.log(-np.log(u)).reshape(_B, _B)
    np.fill_diagonal(g, np.float32(-1e30))
    return g


_KHI, _KLO = _threefry2x32(0, 123, np.zeros(2, np.uint32),
                           np.arange(2, dtype=np.uint32))
_G0 = _gumbel_table(_KHI[0], _KLO[0]).astype(ml_dtypes.bfloat16)
_G1 = _gumbel_table(_KHI[1], _KLO[1]).astype(ml_dtypes.bfloat16)


import functools
from jax import lax
from jax.experimental.pallas import tpu_sc as plsc

_NW = 32
_BPW = _B // _NW


def _sample_body(lpi_ref, g0_ref, lpt_ref, g1_ref, img_ref, txt_ref, w_ref,
                 nt_ref, ni_ref, u_ref, v_ref):
    i = pl.program_id(0)

    @pl.when(i == 0)
    def _init():
        w = w_ref[...]
        u_ref[...] = jnp.dot(img_ref[...], w[:_D],
                             preferred_element_type=jnp.float32)
        v_ref[...] = jnp.dot(txt_ref[...], w[_D:],
                             preferred_element_type=jnp.float32)

    col = jax.lax.broadcasted_iota(jnp.int32, (_BLK, _B), 1)

    def argmax_idx(l_ref, g_ref):
        s = l_ref[...] + g_ref[...].astype(jnp.float32)
        m = jnp.max(s, axis=1, keepdims=True)
        cand = jnp.where(s == m, col, jnp.int32(2**30))
        return jnp.min(cand, axis=1, keepdims=True)

    nt_ref[...] = argmax_idx(lpi_ref, g0_ref)
    ni_ref[...] = argmax_idx(lpt_ref, g1_ref)


def _sample_call(lpi, g0, lpt, g1, img, txt, w):
    row_spec = pl.BlockSpec((_BLK, _B), lambda i: (i, 0))
    full_feat = pl.BlockSpec((_B, _D), lambda i: (0, 0))
    return pl.pallas_call(
        _sample_body,
        grid=(_NBLK,),
        in_specs=[row_spec, row_spec, row_spec, row_spec,
                  full_feat, full_feat,
                  pl.BlockSpec((2 * _D, 2), lambda i: (0, 0))],
        out_specs=[pl.BlockSpec((_BLK, 1), lambda i: (i, 0)),
                   pl.BlockSpec((_BLK, 1), lambda i: (i, 0)),
                   pl.BlockSpec((_B, 2), lambda i: (0, 0)),
                   pl.BlockSpec((_B, 2), lambda i: (0, 0))],
        out_shape=[jax.ShapeDtypeStruct((_B, 1), jnp.int32),
                   jax.ShapeDtypeStruct((_B, 1), jnp.int32),
                   jax.ShapeDtypeStruct((_B, 2), jnp.float32),
                   jax.ShapeDtypeStruct((_B, 2), jnp.float32)],
    )(lpi, g0, lpt, g1, img, txt, w)


@functools.partial(
    pl.kernel,
    mesh=plsc.VectorSubcoreMesh(core_axis_name="c", subcore_axis_name="s"),
    compiler_params=pltpu.CompilerParams(needs_layout_passes=False),
    out_type=[jax.ShapeDtypeStruct((_B,), jnp.float32)] * 4,
    scratch_types=[
        pltpu.VMEM((_BPW,), jnp.int32),
        pltpu.VMEM((_BPW,), jnp.int32),
        pltpu.VMEM((2 * _B,), jnp.float32),
        pltpu.VMEM((2 * _B,), jnp.float32),
        pltpu.VMEM((_BPW,), jnp.float32),
        pltpu.VMEM((_BPW,), jnp.float32),
        pltpu.VMEM((_BPW,), jnp.float32),
        pltpu.VMEM((_BPW,), jnp.float32),
    ],
)
def _sc_gather(nt_hbm, ni_hbm, u_hbm, v_hbm,
               vg0_hbm, vg1_hbm, ug0_hbm, ug1_hbm,
               ntv, niv, uv, vv, o0, o1, o2, o3):
    wid = lax.axis_index("s") * 2 + lax.axis_index("c")
    base = wid * _BPW
    pltpu.sync_copy(nt_hbm.at[pl.ds(base, _BPW)], ntv)
    pltpu.sync_copy(ni_hbm.at[pl.ds(base, _BPW)], niv)
    pltpu.sync_copy(u_hbm, uv)
    pltpu.sync_copy(v_hbm, vv)
    for j in range(_BPW // 16):
        sl = pl.ds(j * 16, 16)
        it = ntv[sl] + ntv[sl]
        ii = niv[sl] + niv[sl]
        o0[sl] = plsc.load_gather(vv, [it])
        o1[sl] = plsc.load_gather(vv, [it + 1])
        o2[sl] = plsc.load_gather(uv, [ii])
        o3[sl] = plsc.load_gather(uv, [ii + 1])
    pltpu.sync_copy(o0, vg0_hbm.at[pl.ds(base, _BPW)])
    pltpu.sync_copy(o1, vg1_hbm.at[pl.ds(base, _BPW)])
    pltpu.sync_copy(o2, ug0_hbm.at[pl.ds(base, _BPW)])
    pltpu.sync_copy(o3, ug1_hbm.at[pl.ds(base, _BPW)])


def _nll_body(u_ref, v_ref, vg0_ref, vg1_ref, ug0_ref, ug1_ref, b_ref,
              out_ref):
    b0 = b_ref[0]
    b1 = b_ref[1]

    def nll_sum(z0, z1, label1):
        m = jnp.maximum(z0, z1)
        lse = m + jnp.log(jnp.exp(z0 - m) + jnp.exp(z1 - m))
        return jnp.sum(lse - (z1 if label1 else z0))

    u0 = u_ref[:, 0:1]
    u1 = u_ref[:, 1:2]
    v0 = v_ref[:, 0:1]
    v1 = v_ref[:, 1:2]
    total = (nll_sum(u0 + v0 + b0, u1 + v1 + b1, True)
             + nll_sum(u0 + vg0_ref[...] + b0, u1 + vg1_ref[...] + b1, False)
             + nll_sum(ug0_ref[...] + v0 + b0, ug1_ref[...] + v1 + b1, False))
    out_ref[0, 0] = total / (3.0 * _B)


def _nll_call(u, v, vg0, vg1, ug0, ug1, b):
    return pl.pallas_call(
        _nll_body,
        in_specs=[pl.BlockSpec((_B, 2), lambda: (0, 0)),
                  pl.BlockSpec((_B, 2), lambda: (0, 0)),
                  pl.BlockSpec((_B, 1), lambda: (0, 0)),
                  pl.BlockSpec((_B, 1), lambda: (0, 0)),
                  pl.BlockSpec((_B, 1), lambda: (0, 0)),
                  pl.BlockSpec((_B, 1), lambda: (0, 0)),
                  pl.BlockSpec(memory_space=pltpu.SMEM)],
        out_specs=pl.BlockSpec(memory_space=pltpu.SMEM),
        out_shape=jax.ShapeDtypeStruct((1, 1), jnp.float32),
    )(u, v, vg0, vg1, ug0, ug1, b)


def _kernel_sc(all_image_features, all_text_features, logits_per_image,
               logits_per_text, W_proj, b_proj):
    nt, ni, u, v = _sample_call(
        logits_per_image.astype(jnp.float32), _G0,
        logits_per_text.astype(jnp.float32), _G1,
        all_image_features, all_text_features, W_proj)
    vg0, vg1, ug0, ug1 = _sc_gather(nt.reshape(_B), ni.reshape(_B),
                                    u.reshape(2 * _B), v.reshape(2 * _B))
    out = _nll_call(u, v, vg0.reshape(_B, 1), vg1.reshape(_B, 1),
                    ug0.reshape(_B, 1), ug1.reshape(_B, 1), b_proj)
    return out.reshape(())


def kernel(all_image_features, all_text_features, logits_per_image,
           logits_per_text, W_proj, b_proj):
    return _kernel_sc(all_image_features, all_text_features, logits_per_image,
                      logits_per_text, W_proj, b_proj)

# --- scband reference (transcript-rebuilt; emitter-appended) ---
"""Pipeline reference for scband-itmsimilarity-loss-51479478010419 (READ-ONLY COPY).

The authoritative reference and input builder live on the scoring server;
editing this copy changes nothing except your own understanding.
"""

import jax, jax.numpy as jnp
import numpy as np

B = 4096
D = 128

def setup_inputs(seed: int = 0):
    key = jax.random.key(seed)
    k1, k2, k3, k4, k5 = jax.random.split(key, 5)
    return {
        "all_image_features": jax.random.normal(k1, (B, D), jnp.float32),
        "all_text_features": jax.random.normal(k2, (B, D), jnp.float32),
        "logits_per_image": jax.random.normal(k3, (B, B), jnp.float32),
        "logits_per_text": jax.random.normal(k4, (B, B), jnp.float32),
        "W_proj": jax.random.normal(k5, (2 * D, 2), jnp.float32) * 0.02,
        "b_proj": jnp.zeros((2,), jnp.float32),
    }

def _sample_negatives(logits_per_image, logits_per_text):
    # torch.no_grad() block: softmax weights with zeroed diagonal, then multinomial sampling
    wi2t = jax.nn.softmax(logits_per_image[:B].astype(jnp.float32), axis=1)
    wt2i = jax.nn.softmax(logits_per_text[:B].astype(jnp.float32), axis=1)
    eye = jnp.eye(B, dtype=bool)
    wi2t = jnp.where(eye, 0.0, wi2t)
    wt2i = jnp.where(eye, 0.0, wt2i)
    li = jnp.where(wi2t > 0, jnp.log(jnp.maximum(wi2t, 1e-38)), -1e30)
    lt = jnp.where(wt2i > 0, jnp.log(jnp.maximum(wt2i, 1e-38)), -1e30)
    ks = jax.random.split(jax.random.key(123), 2)
    neg_text_idx = jax.random.categorical(ks[0], li, axis=-1)   # [B] ~ multinomial(weights_i2t, 1)
    neg_image_idx = jax.random.categorical(ks[1], lt, axis=-1)  # [B] ~ multinomial(weights_t2i, 1)
    return jax.lax.stop_gradient(neg_text_idx), jax.lax.stop_gradient(neg_image_idx)

def reference(all_image_features, all_text_features, logits_per_image, logits_per_text, W_proj, b_proj):
    neg_text_idx, neg_image_idx = _sample_negatives(
        jax.lax.stop_gradient(logits_per_image), jax.lax.stop_gradient(logits_per_text))
    img = all_image_features[:B]
    txt = all_text_features[:B]
    pos = jnp.concatenate([img, txt], axis=1)
    neg_it = jnp.concatenate([img, jnp.take(all_text_features, neg_text_idx, axis=0)], axis=1)
    neg_ti = jnp.concatenate([jnp.take(all_image_features, neg_image_idx, axis=0), txt], axis=1)
    examples = jnp.concatenate([pos, neg_it, neg_ti], axis=0)  # [3B, 2D]
    logits = examples @ W_proj + b_proj                        # proj_head: Linear(2D -> 2)
    labels = jnp.concatenate([
        jnp.ones((B,), jnp.int32), jnp.zeros((B,), jnp.int32), jnp.zeros((B,), jnp.int32)])
    logp = jax.nn.log_softmax(logits, axis=-1)
    nll = -jnp.take_along_axis(logp, labels[:, None], axis=1)[:, 0]
    return jnp.mean(nll)

if __name__ == "__main__":
    import jax
    _d = setup_inputs()
    print(jax.jit(kernel)(*tuple(_d.values())))

</pallas_src>

<mosaic_0001>
#map = affine_map<(d0, d1) -> (0)>
module attributes {stable_mosaic.version = 14 : i64} {
  func.func @_sc_gather(%arg0: i32, %arg1: i32, %arg2: memref<4096xi32, #tpu.memory_space<hbm>>, %arg3: memref<4096xi32, #tpu.memory_space<hbm>>, %arg4: memref<8192xf32, #tpu.memory_space<hbm>>, %arg5: memref<8192xf32, #tpu.memory_space<hbm>>, %arg6: memref<4096xf32, #tpu.memory_space<hbm>>, %arg7: memref<4096xf32, #tpu.memory_space<hbm>>, %arg8: memref<4096xf32, #tpu.memory_space<hbm>>, %arg9: memref<4096xf32, #tpu.memory_space<hbm>>, %arg10: memref<128xi32, #tpu.memory_space<vmem>>, %arg11: memref<128xi32, #tpu.memory_space<vmem>>, %arg12: memref<8192xf32, #tpu.memory_space<vmem>>, %arg13: memref<8192xf32, #tpu.memory_space<vmem>>, %arg14: memref<128xf32, #tpu.memory_space<vmem>>, %arg15: memref<128xf32, #tpu.memory_space<vmem>>, %arg16: memref<128xf32, #tpu.memory_space<vmem>>, %arg17: memref<128xf32, #tpu.memory_space<vmem>>) attributes {dimension_semantics = [#tpu.dimension_semantics<core_parallel>, #tpu.dimension_semantics<subcore_parallel>], iteration_bounds = array<i64: 2, 16>, scalar_prefetch = 0 : i64, scratch_operands = 8 : i64, tpu.core_type = #tpu.core_type<sc_vector_subcore>, window_params = [{transform_indices = #map}, {transform_indices = #map}, {transform_indices = #map}, {transform_indices = #map}, {transform_indices = #map}, {transform_indices = #map}, {transform_indices = #map}, {transform_indices = #map}]} {
    %mul3A = arith.constant 2 : i32
    %mul3A_0 = arith.muli %arg1, %mul3A : i32
    %add3A = arith.addi %mul3A_0, %arg0 : i32
    %mul3A_1 = arith.constant 128 : i32
    %mul3A_2 = arith.muli %add3A, %mul3A_1 : i32
    "tpu.region"() ({
      %run_scoped3A = tpu.sem_alloc : memref<!tpu.dma_semaphore, #tpu.memory_space<semaphore_mem>>
      %dma_start3A = tpu.memref_slice %arg2[%mul3A_2] : memref<4096xi32, #tpu.memory_space<hbm>> -> memref<128xi32, #tpu.memory_space<hbm>>
      %dma_start3A_224 = tpu.memref_slice %arg2[%mul3A_2] : memref<4096xi32, #tpu.memory_space<hbm>> -> memref<128xi32, #tpu.memory_space<hbm>>
      tpu.enqueue_dma source(%dma_start3A_224 : memref<128xi32, #tpu.memory_space<hbm>>) target(%arg10 : memref<128xi32, #tpu.memory_space<vmem>>) target_semaphore(%run_scoped3A : memref<!tpu.dma_semaphore, #tpu.memory_space<semaphore_mem>>)
      %dma_wait3A = tpu.memref_slice %arg2[%mul3A_2] : memref<4096xi32, #tpu.memory_space<hbm>> -> memref<128xi32, #tpu.memory_space<hbm>>
      %dma_wait3A_225 = tpu.memref_slice %arg2[%mul3A_2] : memref<4096xi32, #tpu.memory_space<hbm>> -> memref<128xi32, #tpu.memory_space<hbm>>
      tpu.wait_dma2 semaphore(%run_scoped3A : memref<!tpu.dma_semaphore, #tpu.memory_space<semaphore_mem>>) src(%dma_wait3A_225 : memref<128xi32, #tpu.memory_space<hbm>>) dst(%arg10 : memref<128xi32, #tpu.memory_space<vmem>>)
      tpu.yield
    }) : () -> ()
    "tpu.region"() ({
      %run_scoped3A = tpu.sem_alloc : memref<!tpu.dma_semaphore, #tpu.memory_space<semaphore_mem>>
      %dma_start3A = tpu.memref_slice %arg3[%mul3A_2] : memref<4096xi32, #tpu.memory_space<hbm>> -> memref<128xi32, #tpu.memory_space<hbm>>
      %dma_start3A_224 = tpu.memref_slice %arg3[%mul3A_2] : memref<4096xi32, #tpu.memory_space<hbm>> -> memref<128xi32, #tpu.memory_space<hbm>>
      tpu.enqueue_dma source(%dma_start3A_224 : memref<128xi32, #tpu.memory_space<hbm>>) target(%arg11 : memref<128xi32, #tpu.memory_space<vmem>>) target_semaphore(%run_scoped3A : memref<!tpu.dma_semaphore, #tpu.memory_space<semaphore_mem>>)
      %dma_wait3A = tpu.memref_slice %arg3[%mul3A_2] : memref<4096xi32, #tpu.memory_space<hbm>> -> memref<128xi32, #tpu.memory_space<hbm>>
      %dma_wait3A_225 = tpu.memref_slice %arg3[%mul3A_2] : memref<4096xi32, #tpu.memory_space<hbm>> -> memref<128xi32, #tpu.memory_space<hbm>>
      tpu.wait_dma2 semaphore(%run_scoped3A : memref<!tpu.dma_semaphore, #tpu.memory_space<semaphore_mem>>) src(%dma_wait3A_225 : memref<128xi32, #tpu.memory_space<hbm>>) dst(%arg11 : memref<128xi32, #tpu.memory_space<vmem>>)
      tpu.yield
    }) : () -> ()
    "tpu.region"() ({
      %run_scoped3A = tpu.sem_alloc : memref<!tpu.dma_semaphore, #tpu.memory_space<semaphore_mem>>
      tpu.enqueue_dma source(%arg4 : memref<8192xf32, #tpu.memory_space<hbm>>) target(%arg12 : memref<8192xf32, #tpu.memory_space<vmem>>) target_semaphore(%run_scoped3A : memref<!tpu.dma_semaphore, #tpu.memory_space<semaphore_mem>>)
      tpu.wait_dma2 semaphore(%run_scoped3A : memref<!tpu.dma_semaphore, #tpu.memory_space<semaphore_mem>>) src(%arg4 : memref<8192xf32, #tpu.memory_space<hbm>>) dst(%arg12 : memref<8192xf32, #tpu.memory_space<vmem>>)
      tpu.yield
    }) : () -> ()
    "tpu.region"() ({
      %run_scoped3A = tpu.sem_alloc : memref<!tpu.dma_semaphore, #tpu.memory_space<semaphore_mem>>
      tpu.enqueue_dma source(%arg5 : memref<8192xf32, #tpu.memory_space<hbm>>) target(%arg13 : memref<8192xf32, #tpu.memory_space<vmem>>) target_semaphore(%run_scoped3A : memref<!tpu.dma_semaphore, #tpu.memory_space<semaphore_mem>>)
      tpu.wait_dma2 semaphore(%run_scoped3A : memref<!tpu.dma_semaphore, #tpu.memory_space<semaphore_mem>>) src(%arg5 : memref<8192xf32, #tpu.memory_space<hbm>>) dst(%arg13 : memref<8192xf32, #tpu.memory_space<vmem>>)
      tpu.yield
    }) : () -> ()
    %get3A = arith.constant 0 : index
    %get3A_3 = tpu.vector_load %arg10[%get3A] {strides = array<i32>} : memref<128xi32, #tpu.memory_space<vmem>>, vector<16xi32>,
    %get3A_4 = arith.constant 0 : index
    %get3A_5 = tpu.vector_load %arg10[%get3A_4] {strides = array<i32>} : memref<128xi32, #tpu.memory_space<vmem>>, vector<16xi32>,
    %add3A_6 = arith.addi %get3A_3, %get3A_5 : vector<16xi32>
    %get3A_7 = arith.constant 0 : index
    %get3A_8 = tpu.vector_load %arg11[%get3A_7] {strides = array<i32>} : memref<128xi32, #tpu.memory_space<vmem>>, vector<16xi32>,
    %get3A_9 = arith.constant 0 : index
    %get3A_10 = tpu.vector_load %arg11[%get3A_9] {strides = array<i32>} : memref<128xi32, #tpu.memory_space<vmem>>, vector<16xi32>,
    %add3A_11 = arith.addi %get3A_8, %get3A_10 : vector<16xi32>
    %gather3A = tpu.vector_load_idx %arg13[%add3A_6] : memref<8192xf32, #tpu.memory_space<vmem>>[vector<16xi32>], vector<16xf32>,
    %swap3A = arith.constant 0 : index
    %swap3A_12 = tpu.vector_load %arg14[%swap3A] {strides = array<i32>} : memref<128xf32, #tpu.memory_space<vmem>>, vector<16xf32>,
    tpu.vector_store %arg14[%swap3A], %gather3A {strides = array<i32>} : memref<128xf32, #tpu.memory_space<vmem>>, vector<16xf32>,
    %add3A_13 = arith.constant 1 : i32
    %add3A_14 = vector.broadcast %add3A_13 : i32 to vector<16xi32>
    %add3A_15 = arith.addi %add3A_6, %add3A_14 : vector<16xi32>
    %gather3A_16 = tpu.vector_load_idx %arg13[%add3A_15] : memref<8192xf32, #tpu.memory_space<vmem>>[vector<16xi32>], vector<16xf32>,
    %swap3A_17 = arith.constant 0 : index
    %swap3A_18 = tpu.vector_load %arg15[%swap3A_17] {strides = array<i32>} : memref<128xf32, #tpu.memory_space<vmem>>, vector<16xf32>,
    tpu.vector_store %arg15[%swap3A_17], %gather3A_16 {strides = array<i32>} : memref<128xf32, #tpu.memory_space<vmem>>, vector<16xf32>,
    %gather3A_19 = tpu.vector_load_idx %arg12[%add3A_11] : memref<8192xf32, #tpu.memory_space<vmem>>[vector<16xi32>], vector<16xf32>,
    %swap3A_20 = arith.constant 0 : index
    %swap3A_21 = tpu.vector_load %arg16[%swap3A_20] {strides = array<i32>} : memref<128xf32, #tpu.memory_space<vmem>>, vector<16xf32>,
    tpu.vector_store %arg16[%swap3A_20], %gather3A_19 {strides = array<i32>} : memref<128xf32, #tpu.memory_space<vmem>>, vector<16xf32>,
    %add3A_22 = arith.constant 1 : i32
    %add3A_23 = vector.broadcast %add3A_22 : i32 to vector<16xi32>
    %add3A_24 = arith.addi %add3A_11, %add3A_23 : vector<16xi32>
    %gather3A_25 = tpu.vector_load_idx %arg12[%add3A_24] : memref<8192xf32, #tpu.memory_space<vmem>>[vector<16xi32>], vector<16xf32>,
    %swap3A_26 = arith.constant 0 : index
    %swap3A_27 = tpu.vector_load %arg17[%swap3A_26] {strides = array<i32>} : memref<128xf32, #tpu.memory_space<vmem>>, vector<16xf32>,
    tpu.vector_store %arg17[%swap3A_26], %gather3A_25 {strides = array<i32>} : memref<128xf32, #tpu.memory_space<vmem>>, vector<16xf32>,
    %get3A_28 = arith.constant 16 : index
    %get3A_29 = tpu.vector_load %arg10[%get3A_28] {strides = array<i32>} : memref<128xi32, #tpu.memory_space<vmem>>, vector<16xi32>,
    %get3A_30 = arith.constant 16 : index
    %get3A_31 = tpu.vector_load %arg10[%get3A_30] {strides = array<i32>} : memref<128xi32, #tpu.memory_space<vmem>>, vector<16xi32>,
    %add3A_32 = arith.addi %get3A_29, %get3A_31 : vector<16xi32>
    %get3A_33 = arith.constant 16 : index
    %get3A_34 = tpu.vector_load %arg11[%get3A_33] {strides = array<i32>} : memref<128xi32, #tpu.memory_space<vmem>>, vector<16xi32>,
    %get3A_35 = arith.constant 16 : index
    %get3A_36 = tpu.vector_load %arg11[%get3A_35] {strides = array<i32>} : memref<128xi32, #tpu.memory_space<vmem>>, vector<16xi32>,
    %add3A_37 = arith.addi %get3A_34, %get3A_36 : vector<16xi32>
    %gather3A_38 = tpu.vector_load_idx %arg13[%add3A_32] : memref<8192xf32, #tpu.memory_space<vmem>>[vector<16xi32>], vector<16xf32>,
    %swap3A_39 = arith.constant 16 : index
    %swap3A_40 = tpu.vector_load %arg14[%swap3A_39] {strides = array<i32>} : memref<128xf32, #tpu.memory_space<vmem>>, vector<16xf32>,
    tpu.vector_store %arg14[%swap3A_39], %gather3A_38 {strides = array<i32>} : memref<128xf32, #tpu.memory_space<vmem>>, vector<16xf32>,
    %add3A_41 = arith.constant 1 : i32
    %add3A_42 = vector.broadcast %add3A_41 : i32 to vector<16xi32>
    %add3A_43 = arith.addi %add3A_32, %add3A_42 : vector<16xi32>
    %gather3A_44 = tpu.vector_load_idx %arg13[%add3A_43] : memref<8192xf32, #tpu.memory_space<vmem>>[vector<16xi32>], vector<16xf32>,
    %swap3A_45 = arith.constant 16 : index
    %swap3A_46 = tpu.vector_load %arg15[%swap3A_45] {strides = array<i32>} : memref<128xf32, #tpu.memory_space<vmem>>, vector<16xf32>,
    tpu.vector_store %arg15[%swap3A_45], %gather3A_44 {strides = array<i32>} : memref<128xf32, #tpu.memory_space<vmem>>, vector<16xf32>,
    %gather3A_47 = tpu.vector_load_idx %arg12[%add3A_37] : memref<8192xf32, #tpu.memory_space<vmem>>[vector<16xi32>], vector<16xf32>,
    %swap3A_48 = arith.constant 16 : index
    %swap3A_49 = tpu.vector_load %arg16[%swap3A_48] {strides = array<i32>} : memref<128xf32, #tpu.memory_space<vmem>>, vector<16xf32>,
    tpu.vector_store %arg16[%swap3A_48], %gather3A_47 {strides = array<i32>} : memref<128xf32, #tpu.memory_space<vmem>>, vector<16xf32>,
    %add3A_50 = arith.constant 1 : i32
    %add3A_51 = vector.broadcast %add3A_50 : i32 to vector<16xi32>
    %add3A_52 = arith.addi %add3A_37, %add3A_51 : vector<16xi32>
    %gather3A_53 = tpu.vector_load_idx %arg12[%add3A_52] : memref<8192xf32, #tpu.memory_space<vmem>>[vector<16xi32>], vector<16xf32>,
    %swap3A_54 = arith.constant 16 : index
    %swap3A_55 = tpu.vector_load %arg17[%swap3A_54] {strides = array<i32>} : memref<128xf32, #tpu.memory_space<vmem>>, vector<16xf32>,
    tpu.vector_store %arg17[%swap3A_54], %gather3A_53 {strides = array<i32>} : memref<128xf32, #tpu.memory_space<vmem>>, vector<16xf32>,
    %get3A_56 = arith.constant 32 : index
    %get3A_57 = tpu.vector_load %arg10[%get3A_56] {strides = array<i32>} : memref<128xi32, #tpu.memory_space<vmem>>, vector<16xi32>,
    %get3A_58 = arith.constant 32 : index
    %get3A_59 = tpu.vector_load %arg10[%get3A_58] {strides = array<i32>} : memref<128xi32, #tpu.memory_space<vmem>>, vector<16xi32>,
    %add3A_60 = arith.addi %get3A_57, %get3A_59 : vector<16xi32>
    %get3A_61 = arith.constant 32 : index
    %get3A_62 = tpu.vector_load %arg11[%get3A_61] {strides = array<i32>} : memref<128xi32, #tpu.memory_space<vmem>>, vector<16xi32>,
    %get3A_63 = arith.constant 32 : index
    %get3A_64 = tpu.vector_load %arg11[%get3A_63] {strides = array<i32>} : memref<128xi32, #tpu.memory_space<vmem>>, vector<16xi32>,
    %add3A_65 = arith.addi %get3A_62, %get3A_64 : vector<16xi32>
    %gather3A_66 = tpu.vector_load_idx %arg13[%add3A_60] : memref<8192xf32, #tpu.memory_space<vmem>>[vector<16xi32>], vector<16xf32>,
    %swap3A_67 = arith.constant 32 : index
    %swap3A_68 = tpu.vector_load %arg14[%swap3A_67] {strides = array<i32>} : memref<128xf32, #tpu.memory_space<vmem>>, vector<16xf32>,
    tpu.vector_store %arg14[%swap3A_67], %gather3A_66 {strides = array<i32>} : memref<128xf32, #tpu.memory_space<vmem>>, vector<16xf32>,
    %add3A_69 = arith.constant 1 : i32
    %add3A_70 = vector.broadcast %add3A_69 : i32 to vector<16xi32>
    %add3A_71 = arith.addi %add3A_60, %add3A_70 : vector<16xi32>
    %gather3A_72 = tpu.vector_load_idx %arg13[%add3A_71] : memref<8192xf32, #tpu.memory_space<vmem>>[vector<16xi32>], vector<16xf32>,
    %swap3A_73 = arith.constant 32 : index
    %swap3A_74 = tpu.vector_load %arg15[%swap3A_73] {strides = array<i32>} : memref<128xf32, #tpu.memory_space<vmem>>, vector<16xf32>,
    tpu.vector_store %arg15[%swap3A_73], %gather3A_72 {strides = array<i32>} : memref<128xf32, #tpu.memory_space<vmem>>, vector<16xf32>,
    %gather3A_75 = tpu.vector_load_idx %arg12[%add3A_65] : memref<8192xf32, #tpu.memory_space<vmem>>[vector<16xi32>], vector<16xf32>,
    %swap3A_76 = arith.constant 32 : index
    %swap3A_77 = tpu.vector_load %arg16[%swap3A_76] {strides = array<i32>} : memref<128xf32, #tpu.memory_space<vmem>>, vector<16xf32>,
    tpu.vector_store %arg16[%swap3A_76], %gather3A_75 {strides = array<i32>} : memref<128xf32, #tpu.memory_space<vmem>>, vector<16xf32>,
    %add3A_78 = arith.constant 1 : i32
    %add3A_79 = vector.broadcast %add3A_78 : i32 to vector<16xi32>
    %add3A_80 = arith.addi %add3A_65, %add3A_79 : vector<16xi32>
    %gather3A_81 = tpu.vector_load_idx %arg12[%add3A_80] : memref<8192xf32, #tpu.memory_space<vmem>>[vector<16xi32>], vector<16xf32>,
    %swap3A_82 = arith.constant 32 : index
    %swap3A_83 = tpu.vector_load %arg17[%swap3A_82] {strides = array<i32>} : memref<128xf32, #tpu.memory_space<vmem>>, vector<16xf32>,
    tpu.vector_store %arg17[%swap3A_82], %gather3A_81 {strides = array<i32>} : memref<128xf32, #tpu.memory_space<vmem>>, vector<16xf32>,
    %get3A_84 = arith.constant 48 : index
    %get3A_85 = tpu.vector_load %arg10[%get3A_84] {strides = array<i32>} : memref<128xi32, #tpu.memory_space<vmem>>, vector<16xi32>,
    %get3A_86 = arith.constant 48 : index
    %get3A_87 = tpu.vector_load %arg10[%get3A_86] {strides = array<i32>} : memref<128xi32, #tpu.memory_space<vmem>>, vector<16xi32>,
    %add3A_88 = arith.addi %get3A_85, %get3A_87 : vector<16xi32>
    %get3A_89 = arith.constant 48 : index
    %get3A_90 = tpu.vector_load %arg11[%get3A_89] {strides = array<i32>} : memref<128xi32, #tpu.memory_space<vmem>>, vector<16xi32>,
    %get3A_91 = arith.constant 48 : index
    %get3A_92 = tpu.vector_load %arg11[%get3A_91] {strides = array<i32>} : memref<128xi32, #tpu.memory_space<vmem>>, vector<16xi32>,
    %add3A_93 = arith.addi %get3A_90, %get3A_92 : vector<16xi32>
    %gather3A_94 = tpu.vector_load_idx %arg13[%add3A_88] : memref<8192xf32, #tpu.memory_space<vmem>>[vector<16xi32>], vector<16xf32>,
    %swap3A_95 = arith.constant 48 : index
    %swap3A_96 = tpu.vector_load %arg14[%swap3A_95] {strides = array<i32>} : memref<128xf32, #tpu.memory_space<vmem>>, vector<16xf32>,
    tpu.vector_store %arg14[%swap3A_95], %gather3A_94 {strides = array<i32>} : memref<128xf32, #tpu.memory_space<vmem>>, vector<16xf32>,
    %add3A_97 = arith.constant 1 : i32
    %add3A_98 = vector.broadcast %add3A_97 : i32 to vector<16xi32>
    %add3A_99 = arith.addi %add3A_88, %add3A_98 : vector<16xi32>
    %gather3A_100 = tpu.vector_load_idx %arg13[%add3A_99] : memref<8192xf32, #tpu.memory_space<vmem>>[vector<16xi32>], vector<16xf32>,
    %swap3A_101 = arith.constant 48 : index
    %swap3A_102 = tpu.vector_load %arg15[%swap3A_101] {strides = array<i32>} : memref<128xf32, #tpu.memory_space<vmem>>, vector<16xf32>,
    tpu.vector_store %arg15[%swap3A_101], %gather3A_100 {strides = array<i32>} : memref<128xf32, #tpu.memory_space<vmem>>, vector<16xf32>,
    %gather3A_103 = tpu.vector_load_idx %arg12[%add3A_93] : memref<8192xf32, #tpu.memory_space<vmem>>[vector<16xi32>], vector<16xf32>,
    %swap3A_104 = arith.constant 48 : index
    %swap3A_105 = tpu.vector_load %arg16[%swap3A_104] {strides = array<i32>} : memref<128xf32, #tpu.memory_space<vmem>>, vector<16xf32>,
    tpu.vector_store %arg16[%swap3A_104], %gather3A_103 {strides = array<i32>} : memref<128xf32, #tpu.memory_space<vmem>>, vector<16xf32>,
    %add3A_106 = arith.constant 1 : i32
    %add3A_107 = vector.broadcast %add3A_106 : i32 to vector<16xi32>
    %add3A_108 = arith.addi %add3A_93, %add3A_107 : vector<16xi32>
    %gather3A_109 = tpu.vector_load_idx %arg12[%add3A_108] : memref<8192xf32, #tpu.memory_space<vmem>>[vector<16xi32>], vector<16xf32>,
    %swap3A_110 = arith.constant 48 : index
    %swap3A_111 = tpu.vector_load %arg17[%swap3A_110] {strides = array<i32>} : memref<128xf32, #tpu.memory_space<vmem>>, vector<16xf32>,
    tpu.vector_store %arg17[%swap3A_110], %gather3A_109 {strides = array<i32>} : memref<128xf32, #tpu.memory_space<vmem>>, vector<16xf32>,
    %get3A_112 = arith.constant 64 : index
    %get3A_113 = tpu.vector_load %arg10[%get3A_112] {strides = array<i32>} : memref<128xi32, #tpu.memory_space<vmem>>, vector<16xi32>,
    %get3A_114 = arith.constant 64 : index
    %get3A_115 = tpu.vector_load %arg10[%get3A_114] {strides = array<i32>} : memref<128xi32, #tpu.memory_space<vmem>>, vector<16xi32>,
    %add3A_116 = arith.addi %get3A_113, %get3A_115 : vector<16xi32>
    %get3A_117 = arith.constant 64 : index
    %get3A_118 = tpu.vector_load %arg11[%get3A_117] {strides = array<i32>} : memref<128xi32, #tpu.memory_space<vmem>>, vector<16xi32>,
    %get3A_119 = arith.constant 64 : index
    %get3A_120 = tpu.vector_load %arg11[%get3A_119] {strides = array<i32>} : memref<128xi32, #tpu.memory_space<vmem>>, vector<16xi32>,
    %add3A_121 = arith.addi %get3A_118, %get3A_120 : vector<16xi32>
    %gather3A_122 = tpu.vector_load_idx %arg13[%add3A_116] : memref<8192xf32, #tpu.memory_space<vmem>>[vector<16xi32>], vector<16xf32>,
    %swap3A_123 = arith.constant 64 : index
    %swap3A_124 = tpu.vector_load %arg14[%swap3A_123] {strides = array<i32>} : memref<128xf32, #tpu.memory_space<vmem>>, vector<16xf32>,
    tpu.vector_store %arg14[%swap3A_123], %gather3A_122 {strides = array<i32>} : memref<128xf32, #tpu.memory_space<vmem>>, vector<16xf32>,
    %add3A_125 = arith.constant 1 : i32
    %add3A_126 = vector.broadcast %add3A_125 : i32 to vector<16xi32>
    %add3A_127 = arith.addi %add3A_116, %add3A_126 : vector<16xi32>
    %gather3A_128 = tpu.vector_load_idx %arg13[%add3A_127] : memref<8192xf32, #tpu.memory_space<vmem>>[vector<16xi32>], vector<16xf32>,
    %swap3A_129 = arith.constant 64 : index
    %swap3A_130 = tpu.vector_load %arg15[%swap3A_129] {strides = array<i32>} : memref<128xf32, #tpu.memory_space<vmem>>, vector<16xf32>,
    tpu.vector_store %arg15[%swap3A_129], %gather3A_128 {strides = array<i32>} : memref<128xf32, #tpu.memory_space<vmem>>, vector<16xf32>,
    %gather3A_131 = tpu.vector_load_idx %arg12[%add3A_121] : memref<8192xf32, #tpu.memory_space<vmem>>[vector<16xi32>], vector<16xf32>,
    %swap3A_132 = arith.constant 64 : index
    %swap3A_133 = tpu.vector_load %arg16[%swap3A_132] {strides = array<i32>} : memref<128xf32, #tpu.memory_space<vmem>>, vector<16xf32>,
    tpu.vector_store %arg16[%swap3A_132], %gather3A_131 {strides = array<i32>} : memref<128xf32, #tpu.memory_space<vmem>>, vector<16xf32>,
    %add3A_134 = arith.constant 1 : i32
    %add3A_135 = vector.broadcast %add3A_134 : i32 to vector<16xi32>
    %add3A_136 = arith.addi %add3A_121, %add3A_135 : vector<16xi32>
    %gather3A_137 = tpu.vector_load_idx %arg12[%add3A_136] : memref<8192xf32, #tpu.memory_space<vmem>>[vector<16xi32>], vector<16xf32>,
    %swap3A_138 = arith.constant 64 : index
    %swap3A_139 = tpu.vector_load %arg17[%swap3A_138] {strides = array<i32>} : memref<128xf32, #tpu.memory_space<vmem>>, vector<16xf32>,
    tpu.vector_store %arg17[%swap3A_138], %gather3A_137 {strides = array<i32>} : memref<128xf32, #tpu.memory_space<vmem>>, vector<16xf32>,
    %get3A_140 = arith.constant 80 : index
    %get3A_141 = tpu.vector_load %arg10[%get3A_140] {strides = array<i32>} : memref<128xi32, #tpu.memory_space<vmem>>, vector<16xi32>,
    %get3A_142 = arith.constant 80 : index
    %get3A_143 = tpu.vector_load %arg10[%get3A_142] {strides = array<i32>} : memref<128xi32, #tpu.memory_space<vmem>>, vector<16xi32>,
    %add3A_144 = arith.addi %get3A_141, %get3A_143 : vector<16xi32>
    %get3A_145 = arith.constant 80 : index
    %get3A_146 = tpu.vector_load %arg11[%get3A_145] {strides = array<i32>} : memref<128xi32, #tpu.memory_space<vmem>>, vector<16xi32>,
    %get3A_147 = arith.constant 80 : index
    %get3A_148 = tpu.vector_load %arg11[%get3A_147] {strides = array<i32>} : memref<128xi32, #tpu.memory_space<vmem>>, vector<16xi32>,
    %add3A_149 = arith.addi %get3A_146, %get3A_148 : vector<16xi32>
    %gather3A_150 = tpu.vector_load_idx %arg13[%add3A_144] : memref<8192xf32, #tpu.memory_space<vmem>>[vector<16xi32>], vector<16xf32>,
    %swap3A_151 = arith.constant 80 : index
    %swap3A_152 = tpu.vector_load %arg14[%swap3A_151] {strides = array<i32>} : memref<128xf32, #tpu.memory_space<vmem>>, vector<16xf32>,
    tpu.vector_store %arg14[%swap3A_151], %gather3A_150 {strides = array<i32>} : memref<128xf32, #tpu.memory_space<vmem>>, vector<16xf32>,
    %add3A_153 = arith.constant 1 : i32
    %add3A_154 = vector.broadcast %add3A_153 : i32 to vector<16xi32>
    %add3A_155 = arith.addi %add3A_144, %add3A_154 : vector<16xi32>
    %gather3A_156 = tpu.vector_load_idx %arg13[%add3A_155] : memref<8192xf32, #tpu.memory_space<vmem>>[vector<16xi32>], vector<16xf32>,
    %swap3A_157 = arith.constant 80 : index
    %swap3A_158 = tpu.vector_load %arg15[%swap3A_157] {strides = array<i32>} : memref<128xf32, #tpu.memory_space<vmem>>, vector<16xf32>,
    tpu.vector_store %arg15[%swap3A_157], %gather3A_156 {strides = array<i32>} : memref<128xf32, #tpu.memory_space<vmem>>, vector<16xf32>,
    %gather3A_159 = tpu.vector_load_idx %arg12[%add3A_149] : memref<8192xf32, #tpu.memory_space<vmem>>[vector<16xi32>], vector<16xf32>,
    %swap3A_160 = arith.constant 80 : index
    %swap3A_161 = tpu.vector_load %arg16[%swap3A_160] {strides = array<i32>} : memref<128xf32, #tpu.memory_space<vmem>>, vector<16xf32>,
    tpu.vector_store %arg16[%swap3A_160], %gather3A_159 {strides = array<i32>} : memref<128xf32, #tpu.memory_space<vmem>>, vector<16xf32>,
    %add3A_162 = arith.constant 1 : i32
    %add3A_163 = vector.broadcast %add3A_162 : i32 to vector<16xi32>
    %add3A_164 = arith.addi %add3A_149, %add3A_163 : vector<16xi32>
    %gather3A_165 = tpu.vector_load_idx %arg12[%add3A_164] : memref<8192xf32, #tpu.memory_space<vmem>>[vector<16xi32>], vector<16xf32>,
    %swap3A_166 = arith.constant 80 : index
    %swap3A_167 = tpu.vector_load %arg17[%swap3A_166] {strides = array<i32>} : memref<128xf32, #tpu.memory_space<vmem>>, vector<16xf32>,
    tpu.vector_store %arg17[%swap3A_166], %gather3A_165 {strides = array<i32>} : memref<128xf32, #tpu.memory_space<vmem>>, vector<16xf32>,
    %get3A_168 = arith.constant 96 : index
    %get3A_169 = tpu.vector_load %arg10[%get3A_168] {strides = array<i32>} : memref<128xi32, #tpu.memory_space<vmem>>, vector<16xi32>,
    %get3A_170 = arith.constant 96 : index
    %get3A_171 = tpu.vector_load %arg10[%get3A_170] {strides = array<i32>} : memref<128xi32, #tpu.memory_space<vmem>>, vector<16xi32>,
    %add3A_172 = arith.addi %get3A_169, %get3A_171 : vector<16xi32>
    %get3A_173 = arith.constant 96 : index
    %get3A_174 = tpu.vector_load %arg11[%get3A_173] {strides = array<i32>} : memref<128xi32, #tpu.memory_space<vmem>>, vector<16xi32>,
    %get3A_175 = arith.constant 96 : index
    %get3A_176 = tpu.vector_load %arg11[%get3A_175] {strides = array<i32>} : memref<128xi32, #tpu.memory_space<vmem>>, vector<16xi32>,
    %add3A_177 = arith.addi %get3A_174, %get3A_176 : vector<16xi32>
    %gather3A_178 = tpu.vector_load_idx %arg13[%add3A_172] : memref<8192xf32, #tpu.memory_space<vmem>>[vector<16xi32>], vector<16xf32>,
    %swap3A_179 = arith.constant 96 : index
    %swap3A_180 = tpu.vector_load %arg14[%swap3A_179] {strides = array<i32>} : memref<128xf32, #tpu.memory_space<vmem>>, vector<16xf32>,
    tpu.vector_store %arg14[%swap3A_179], %gather3A_178 {strides = array<i32>} : memref<128xf32, #tpu.memory_space<vmem>>, vector<16xf32>,
    %add3A_181 = arith.constant 1 : i32
    %add3A_182 = vector.broadcast %add3A_181 : i32 to vector<16xi32>
    %add3A_183 = arith.addi %add3A_172, %add3A_182 : vector<16xi32>
    %gather3A_184 = tpu.vector_load_idx %arg13[%add3A_183] : memref<8192xf32, #tpu.memory_space<vmem>>[vector<16xi32>], vector<16xf32>,
    %swap3A_185 = arith.constant 96 : index
    %swap3A_186 = tpu.vector_load %arg15[%swap3A_185] {strides = array<i32>} : memref<128xf32, #tpu.memory_space<vmem>>, vector<16xf32>,
    tpu.vector_store %arg15[%swap3A_185], %gather3A_184 {strides = array<i32>} : memref<128xf32, #tpu.memory_space<vmem>>, vector<16xf32>,
    %gather3A_187 = tpu.vector_load_idx %arg12[%add3A_177] : memref<8192xf32, #tpu.memory_space<vmem>>[vector<16xi32>], vector<16xf32>,
    %swap3A_188 = arith.constant 96 : index
    %swap3A_189 = tpu.vector_load %arg16[%swap3A_188] {strides = array<i32>} : memref<128xf32, #tpu.memory_space<vmem>>, vector<16xf32>,
    tpu.vector_store %arg16[%swap3A_188], %gather3A_187 {strides = array<i32>} : memref<128xf32, #tpu.memory_space<vmem>>, vector<16xf32>,
    %add3A_190 = arith.constant 1 : i32
    %add3A_191 = vector.broadcast %add3A_190 : i32 to vector<16xi32>
    %add3A_192 = arith.addi %add3A_177, %add3A_191 : vector<16xi32>
    %gather3A_193 = tpu.vector_load_idx %arg12[%add3A_192] : memref<8192xf32, #tpu.memory_space<vmem>>[vector<16xi32>], vector<16xf32>,
    %swap3A_194 = arith.constant 96 : index
    %swap3A_195 = tpu.vector_load %arg17[%swap3A_194] {strides = array<i32>} : memref<128xf32, #tpu.memory_space<vmem>>, vector<16xf32>,
    tpu.vector_store %arg17[%swap3A_194], %gather3A_193 {strides = array<i32>} : memref<128xf32, #tpu.memory_space<vmem>>, vector<16xf32>,
    %get3A_196 = arith.constant 112 : index
    %get3A_197 = tpu.vector_load %arg10[%get3A_196] {strides = array<i32>} : memref<128xi32, #tpu.memory_space<vmem>>, vector<16xi32>,
    %get3A_198 = arith.constant 112 : index
    %get3A_199 = tpu.vector_load %arg10[%get3A_198] {strides = array<i32>} : memref<128xi32, #tpu.memory_space<vmem>>, vector<16xi32>,
    %add3A_200 = arith.addi %get3A_197, %get3A_199 : vector<16xi32>
    %get3A_201 = arith.constant 112 : index
    %get3A_202 = tpu.vector_load %arg11[%get3A_201] {strides = array<i32>} : memref<128xi32, #tpu.memory_space<vmem>>, vector<16xi32>,
    %get3A_203 = arith.constant 112 : index
    %get3A_204 = tpu.vector_load %arg11[%get3A_203] {strides = array<i32>} : memref<128xi32, #tpu.memory_space<vmem>>, vector<16xi32>,
    %add3A_205 = arith.addi %get3A_202, %get3A_204 : vector<16xi32>
    %gather3A_206 = tpu.vector_load_idx %arg13[%add3A_200] : memref<8192xf32, #tpu.memory_space<vmem>>[vector<16xi32>], vector<16xf32>,
    %swap3A_207 = arith.constant 112 : index
    %swap3A_208 = tpu.vector_load %arg14[%swap3A_207] {strides = array<i32>} : memref<128xf32, #tpu.memory_space<vmem>>, vector<16xf32>,
    tpu.vector_store %arg14[%swap3A_207], %gather3A_206 {strides = array<i32>} : memref<128xf32, #tpu.memory_space<vmem>>, vector<16xf32>,
    %add3A_209 = arith.constant 1 : i32
    %add3A_210 = vector.broadcast %add3A_209 : i32 to vector<16xi32>
    %add3A_211 = arith.addi %add3A_200, %add3A_210 : vector<16xi32>
    %gather3A_212 = tpu.vector_load_idx %arg13[%add3A_211] : memref<8192xf32, #tpu.memory_space<vmem>>[vector<16xi32>], vector<16xf32>,
    %swap3A_213 = arith.constant 112 : index
    %swap3A_214 = tpu.vector_load %arg15[%swap3A_213] {strides = array<i32>} : memref<128xf32, #tpu.memory_space<vmem>>, vector<16xf32>,
    tpu.vector_store %arg15[%swap3A_213], %gather3A_212 {strides = array<i32>} : memref<128xf32, #tpu.memory_space<vmem>>, vector<16xf32>,
    %gather3A_215 = tpu.vector_load_idx %arg12[%add3A_205] : memref<8192xf32, #tpu.memory_space<vmem>>[vector<16xi32>], vector<16xf32>,
    %swap3A_216 = arith.constant 112 : index
    %swap3A_217 = tpu.vector_load %arg16[%swap3A_216] {strides = array<i32>} : memref<128xf32, #tpu.memory_space<vmem>>, vector<16xf32>,
    tpu.vector_store %arg16[%swap3A_216], %gather3A_215 {strides = array<i32>} : memref<128xf32, #tpu.memory_space<vmem>>, vector<16xf32>,
    %add3A_218 = arith.constant 1 : i32
    %add3A_219 = vector.broadcast %add3A_218 : i32 to vector<16xi32>
    %add3A_220 = arith.addi %add3A_205, %add3A_219 : vector<16xi32>
    %gather3A_221 = tpu.vector_load_idx %arg12[%add3A_220] : memref<8192xf32, #tpu.memory_space<vmem>>[vector<16xi32>], vector<16xf32>,
    %swap3A_222 = arith.constant 112 : index
    %swap3A_223 = tpu.vector_load %arg17[%swap3A_222] {strides = array<i32>} : memref<128xf32, #tpu.memory_space<vmem>>, vector<16xf32>,
    tpu.vector_store %arg17[%swap3A_222], %gather3A_221 {strides = array<i32>} : memref<128xf32, #tpu.memory_space<vmem>>, vector<16xf32>,
    "tpu.region"() ({
      %run_scoped3A = tpu.sem_alloc : memref<!tpu.dma_semaphore, #tpu.memory_space<semaphore_mem>>
      %dma_start3A = tpu.memref_slice %arg6[%mul3A_2] : memref<4096xf32, #tpu.memory_space<hbm>> -> memref<128xf32, #tpu.memory_space<hbm>>
      %dma_start3A_224 = tpu.memref_slice %arg6[%mul3A_2] : memref<4096xf32, #tpu.memory_space<hbm>> -> memref<128xf32, #tpu.memory_space<hbm>>
      tpu.enqueue_dma source(%arg14 : memref<128xf32, #tpu.memory_space<vmem>>) target(%dma_start3A_224 : memref<128xf32, #tpu.memory_space<hbm>>) target_semaphore(%run_scoped3A : memref<!tpu.dma_semaphore, #tpu.memory_space<semaphore_mem>>)
      %dma_wait3A = tpu.memref_slice %arg6[%mul3A_2] : memref<4096xf32, #tpu.memory_space<hbm>> -> memref<128xf32, #tpu.memory_space<hbm>>
      %dma_wait3A_225 = tpu.memref_slice %arg6[%mul3A_2] : memref<4096xf32, #tpu.memory_space<hbm>> -> memref<128xf32, #tpu.memory_space<hbm>>
      tpu.wait_dma2 semaphore(%run_scoped3A : memref<!tpu.dma_semaphore, #tpu.memory_space<semaphore_mem>>) src(%arg14 : memref<128xf32, #tpu.memory_space<vmem>>) dst(%dma_wait3A_225 : memref<128xf32, #tpu.memory_space<hbm>>)
      tpu.yield
    }) : () -> ()
    "tpu.region"() ({
      %run_scoped3A = tpu.sem_alloc : memref<!tpu.dma_semaphore, #tpu.memory_space<semaphore_mem>>
      %dma_start3A = tpu.memref_slice %arg7[%mul3A_2] : memref<4096xf32, #tpu.memory_space<hbm>> -> memref<128xf32, #tpu.memory_space<hbm>>
      %dma_start3A_224 = tpu.memref_slice %arg7[%mul3A_2] : memref<4096xf32, #tpu.memory_space<hbm>> -> memref<128xf32, #tpu.memory_space<hbm>>
      tpu.enqueue_dma source(%arg15 : memref<128xf32, #tpu.memory_space<vmem>>) target(%dma_start3A_224 : memref<128xf32, #tpu.memory_space<hbm>>) target_semaphore(%run_scoped3A : memref<!tpu.dma_semaphore, #tpu.memory_space<semaphore_mem>>)
      %dma_wait3A = tpu.memref_slice %arg7[%mul3A_2] : memref<4096xf32, #tpu.memory_space<hbm>> -> memref<128xf32, #tpu.memory_space<hbm>>
      %dma_wait3A_225 = tpu.memref_slice %arg7[%mul3A_2] : memref<4096xf32, #tpu.memory_space<hbm>> -> memref<128xf32, #tpu.memory_space<hbm>>
      tpu.wait_dma2 semaphore(%run_scoped3A : memref<!tpu.dma_semaphore, #tpu.memory_space<semaphore_mem>>) src(%arg15 : memref<128xf32, #tpu.memory_space<vmem>>) dst(%dma_wait3A_225 : memref<128xf32, #tpu.memory_space<hbm>>)
      tpu.yield
    }) : () -> ()
    "tpu.region"() ({
      %run_scoped3A = tpu.sem_alloc : memref<!tpu.dma_semaphore, #tpu.memory_space<semaphore_mem>>
      %dma_start3A = tpu.memref_slice %arg8[%mul3A_2] : memref<4096xf32, #tpu.memory_space<hbm>> -> memref<128xf32, #tpu.memory_space<hbm>>
      %dma_start3A_224 = tpu.memref_slice %arg8[%mul3A_2] : memref<4096xf32, #tpu.memory_space<hbm>> -> memref<128xf32, #tpu.memory_space<hbm>>
      tpu.enqueue_dma source(%arg16 : memref<128xf32, #tpu.memory_space<vmem>>) target(%dma_start3A_224 : memref<128xf32, #tpu.memory_space<hbm>>) target_semaphore(%run_scoped3A : memref<!tpu.dma_semaphore, #tpu.memory_space<semaphore_mem>>)
      %dma_wait3A = tpu.memref_slice %arg8[%mul3A_2] : memref<4096xf32, #tpu.memory_space<hbm>> -> memref<128xf32, #tpu.memory_space<hbm>>
      %dma_wait3A_225 = tpu.memref_slice %arg8[%mul3A_2] : memref<4096xf32, #tpu.memory_space<hbm>> -> memref<128xf32, #tpu.memory_space<hbm>>
      tpu.wait_dma2 semaphore(%run_scoped3A : memref<!tpu.dma_semaphore, #tpu.memory_space<semaphore_mem>>) src(%arg16 : memref<128xf32, #tpu.memory_space<vmem>>) dst(%dma_wait3A_225 : memref<128xf32, #tpu.memory_space<hbm>>)
      tpu.yield
    }) : () -> ()
    "tpu.region"() ({
      %run_scoped3A = tpu.sem_alloc : memref<!tpu.dma_semaphore, #tpu.memory_space<semaphore_mem>>
      %dma_start3A = tpu.memref_slice %arg9[%mul3A_2] : memref<4096xf32, #tpu.memory_space<hbm>> -> memref<128xf32, #tpu.memory_space<hbm>>
      %dma_start3A_224 = tpu.memref_slice %arg9[%mul3A_2] : memref<4096xf32, #tpu.memory_space<hbm>> -> memref<128xf32, #tpu.memory_space<hbm>>
      tpu.enqueue_dma source(%arg17 : memref<128xf32, #tpu.memory_space<vmem>>) target(%dma_start3A_224 : memref<128xf32, #tpu.memory_space<hbm>>) target_semaphore(%run_scoped3A : memref<!tpu.dma_semaphore, #tpu.memory_space<semaphore_mem>>)
      %dma_wait3A = tpu.memref_slice %arg9[%mul3A_2] : memref<4096xf32, #tpu.memory_space<hbm>> -> memref<128xf32, #tpu.memory_space<hbm>>
      %dma_wait3A_225 = tpu.memref_slice %arg9[%mul3A_2] : memref<4096xf32, #tpu.memory_space<hbm>> -> memref<128xf32, #tpu.memory_space<hbm>>
      tpu.wait_dma2 semaphore(%run_scoped3A : memref<!tpu.dma_semaphore, #tpu.memory_space<semaphore_mem>>) src(%arg17 : memref<128xf32, #tpu.memory_space<vmem>>) dst(%dma_wait3A_225 : memref<128xf32, #tpu.memory_space<hbm>>)
      tpu.yield
    }) : () -> ()
    return
  }
}

module attributes {stable_mosaic.version = 14 : i64} {
  func.func @_sample_body(%arg0: i32, %arg1: memref<256x4096xf32, #tpu.memory_space<vmem>>, %arg2: memref<256x4096xbf16, #tpu.memory_space<vmem>>, %arg3: memref<256x4096xf32, #tpu.memory_space<vmem>>, %arg4: memref<256x4096xbf16, #tpu.memory_space<vmem>>, %arg5: memref<4096x128xf32, #tpu.memory_space<vmem>>, %arg6: memref<4096x128xf32, #tpu.memory_space<vmem>>, %arg7: memref<256x2xf32, #tpu.memory_space<vmem>>, %arg8: memref<256x1xi32, #tpu.memory_space<vmem>>, %arg9: memref<256x1xi32, #tpu.memory_space<vmem>>, %arg10: memref<4096x2xf32, #tpu.memory_space<vmem>>, %arg11: memref<4096x2xf32, #tpu.memory_space<vmem>>) attributes {dimension_semantics = [#tpu.dimension_semantics<arbitrary>], iteration_bounds = array<i64: 16>, scalar_prefetch = 0 : i64, scratch_operands = 0 : i64, tpu.core_type = #tpu.core_type<tc>, window_params = [{transform_indices = @transform_0, window_bounds = array<i64: 256, 4096>}, {transform_indices = @transform_1, window_bounds = array<i64: 256, 4096>}, {transform_indices = @transform_2, window_bounds = array<i64: 256, 4096>}, {transform_indices = @transform_3, window_bounds = array<i64: 256, 4096>}, {pipeline_mode = #tpu.pipeline_mode<synchronous>, transform_indices = @transform_4, window_bounds = array<i64: 4096, 128>}, {pipeline_mode = #tpu.pipeline_mode<synchronous>, transform_indices = @transform_5, window_bounds = array<i64: 4096, 128>}, {pipeline_mode = #tpu.pipeline_mode<synchronous>, transform_indices = @transform_6, window_bounds = array<i64: 256, 2>}, {transform_indices = @transform_7, window_bounds = array<i64: 256, 1>}, {transform_indices = @transform_8, window_bounds = array<i64: 256, 1>}, {pipeline_mode = #tpu.pipeline_mode<synchronous>, transform_indices = @transform_9, window_bounds = array<i64: 4096, 2>}, {pipeline_mode = #tpu.pipeline_mode<synchronous>, transform_indices = @transform_10, window_bounds = array<i64: 4096, 2>}]} {
    %eq3A = arith.constant 0 : i32
    %eq3A_0 = arith.cmpi eq, %arg0, %eq3A : i32
    %convert_element_type3A = arith.extui %eq3A_0 : i1 to i32
    %cond3A = arith.constant 0 : i32
    %cond3A_1 = arith.cmpi ne, %convert_element_type3A, %cond3A : i32
    scf.if %cond3A_1 {
      %get3A_38 = arith.constant 0 : index
      %get3A_39 = arith.constant 0 : index
      %get3A_40 = vector.load %arg7[%get3A_38, %get3A_39] : memref<256x2xf32, #tpu.memory_space<vmem>>, vector<256x2xf32>
      %get3A_41 = arith.constant 0 : index
      %get3A_42 = arith.constant 0 : index
      %get3A_43 = vector.load %arg5[%get3A_41, %get3A_42] : memref<4096x128xf32, #tpu.memory_space<vmem>>, vector<4096x128xf32>
      %slice3A = vector.extract_strided_slice %get3A_40 {offsets = [0, 0], sizes = [128, 2], strides = [1, 1]} : vector<256x2xf32> to vector<128x2xf32>
      %dot_general3A = arith.constant dense<0.000000e+00> : vector<4096x2xf32>
      %dot_general3A_44 = tpu.matmul %get3A_43, %slice3A, %dot_general3A {dimension_numbers = #tpu.dot_dimension_numbers<[1], [0], [0], [1], [0, 0, 1, 1], [], []>, transpose_lhs_hint = false} : vector<4096x128xf32>, vector<128x2xf32>, vector<4096x2xf32> -> vector<4096x2xf32>
      %swap3A_45 = arith.constant 0 : index
      %swap3A_46 = arith.constant 0 : index
      %swap3A_47 = vector.load %arg10[%swap3A_45, %swap3A_46] : memref<4096x2xf32, #tpu.memory_space<vmem>>, vector<4096x2xf32>
      tpu.vector_store %arg10[%swap3A_45, %swap3A_46], %dot_general3A_44 {strides = array<i32>} : memref<4096x2xf32, #tpu.memory_space<vmem>>, vector<4096x2xf32>,
      %get3A_48 = arith.constant 0 : index
      %get3A_49 = arith.constant 0 : index
      %get3A_50 = vector.load %arg6[%get3A_48, %get3A_49] : memref<4096x128xf32, #tpu.memory_space<vmem>>, vector<4096x128xf32>
      %slice3A_51 = vector.extract_strided_slice %get3A_40 {offsets = [128, 0], sizes = [128, 2], strides = [1, 1]} : vector<256x2xf32> to vector<128x2xf32>
      %dot_general3A_52 = arith.constant dense<0.000000e+00> : vector<4096x2xf32>
      %dot_general3A_53 = tpu.matmul %get3A_50, %slice3A_51, %dot_general3A_52 {dimension_numbers = #tpu.dot_dimension_numbers<[1], [0], [0], [1], [0, 0, 1, 1], [], []>, transpose_lhs_hint = false} : vector<4096x128xf32>, vector<128x2xf32>, vector<4096x2xf32> -> vector<4096x2xf32>
      %swap3A_54 = arith.constant 0 : index
      %swap3A_55 = arith.constant 0 : index
      %swap3A_56 = vector.load %arg11[%swap3A_54, %swap3A_55] : memref<4096x2xf32, #tpu.memory_space<vmem>>, vector<4096x2xf32>
      tpu.vector_store %arg11[%swap3A_54, %swap3A_55], %dot_general3A_53 {strides = array<i32>} : memref<4096x2xf32, #tpu.memory_space<vmem>>, vector<4096x2xf32>,
    } else {
    }
    %iota3A = tpu.iota {dimensions = array<i32: 1>} : vector<256x4096xi32>
    %get3A = arith.constant 0 : index
    %get3A_2 = arith.constant 0 : index
    %get3A_3 = vector.load %arg1[%get3A, %get3A_2] : memref<256x4096xf32, #tpu.memory_space<vmem>>, vector<256x4096xf32>
    %get3A_4 = arith.constant 0 : index
    %get3A_5 = arith.constant 0 : index
    %get3A_6 = vector.load %arg2[%get3A_4, %get3A_5] : memref<256x4096xbf16, #tpu.memory_space<vmem>>, vector<256x4096xbf16>
    %convert_element_type3A_7 = arith.extf %get3A_6 : vector<256x4096xbf16> to vector<256x4096xf32>
    %add3A = arith.addf %get3A_3, %convert_element_type3A_7 : vector<256x4096xf32>
    %reduce_max3A = arith.constant dense<0xFF800000> : vector<256xf32>
    %reduce_max3A_8 = vector.multi_reduction <maximumf>, %add3A, %reduce_max3A [1] : vector<256x4096xf32> to vector<256xf32>
    %broadcast_in_dim3A = vector.shape_cast %reduce_max3A_8 : vector<256xf32> to vector<256x1xf32>
    %eq3A_9 = vector.broadcast %broadcast_in_dim3A : vector<256x1xf32> to vector<256x4096xf32>
    %eq3A_10 = arith.cmpf oeq, %add3A, %eq3A_9 : vector<256x4096xf32>
    %jit3A = arith.constant 1073741824 : i32
    %broadcast_in_dim3A_11 = vector.broadcast %jit3A : i32 to vector<256x4096xi32>
    %select_n3A = arith.select %eq3A_10, %iota3A, %broadcast_in_dim3A_11 : vector<256x4096xi1>, vector<256x4096xi32>
    %reduce_min3A = arith.constant dense<2147483647> : vector<256xi32>
    %reduce_min3A_12 = vector.multi_reduction <minsi>, %select_n3A, %reduce_min3A [1] : vector<256x4096xi32> to vector<256xi32>
    %broadcast_in_dim3A_13 = vector.shape_cast %reduce_min3A_12 : vector<256xi32> to vector<256x1xi32>
    %swap3A = arith.constant 0 : index
    %swap3A_14 = arith.constant 0 : index
    %swap3A_15 = vector.load %arg8[%swap3A, %swap3A_14] : memref<256x1xi32, #tpu.memory_space<vmem>>, vector<256x1xi32>
    tpu.vector_store %arg8[%swap3A, %swap3A_14], %broadcast_in_dim3A_13 {strides = array<i32>} : memref<256x1xi32, #tpu.memory_space<vmem>>, vector<256x1xi32>,
    %get3A_16 = arith.constant 0 : index
    %get3A_17 = arith.constant 0 : index
    %get3A_18 = vector.load %arg3[%get3A_16, %get3A_17] : memref<256x4096xf32, #tpu.memory_space<vmem>>, vector<256x4096xf32>
    %get3A_19 = arith.constant 0 : index
    %get3A_20 = arith.constant 0 : index
    %get3A_21 = vector.load %arg4[%get3A_19, %get3A_20] : memref<256x4096xbf16, #tpu.memory_space<vmem>>, vector<256x4096xbf16>
    %convert_element_type3A_22 = arith.extf %get3A_21 : vector<256x4096xbf16> to vector<256x4096xf32>
    %add3A_23 = arith.addf %get3A_18, %convert_element_type3A_22 : vector<256x4096xf32>
    %reduce_max3A_24 = arith.constant dense<0xFF800000> : vector<256xf32>
    %reduce_max3A_25 = vector.multi_reduction <maximumf>, %add3A_23, %reduce_max3A_24 [1] : vector<256x4096xf32> to vector<256xf32>
    %broadcast_in_dim3A_26 = vector.shape_cast %reduce_max3A_25 : vector<256xf32> to vector<256x1xf32>
    %eq3A_27 = vector.broadcast %broadcast_in_dim3A_26 : vector<256x1xf32> to vector<256x4096xf32>
    %eq3A_28 = arith.cmpf oeq, %add3A_23, %eq3A_27 : vector<256x4096xf32>
    %jit3A_29 = arith.constant 1073741824 : i32
    %broadcast_in_dim3A_30 = vector.broadcast %jit3A_29 : i32 to vector<256x4096xi32>
    %select_n3A_31 = arith.select %eq3A_28, %iota3A, %broadcast_in_dim3A_30 : vector<256x4096xi1>, vector<256x4096xi32>
    %reduce_min3A_32 = arith.constant dense<2147483647> : vector<256xi32>
    %reduce_min3A_33 = vector.multi_reduction <minsi>, %select_n3A_31, %reduce_min3A_32 [1] : vector<256x4096xi32> to vector<256xi32>
    %broadcast_in_dim3A_34 = vector.shape_cast %reduce_min3A_33 : vector<256xi32> to vector<256x1xi32>
    %swap3A_35 = arith.constant 0 : index
    %swap3A_36 = arith.constant 0 : index
    %swap3A_37 = vector.load %arg9[%swap3A_35, %swap3A_36] : memref<256x1xi32, #tpu.memory_space<vmem>>, vector<256x1xi32>
    tpu.vector_store %arg9[%swap3A_35, %swap3A_36], %broadcast_in_dim3A_34 {strides = array<i32>} : memref<256x1xi32, #tpu.memory_space<vmem>>, vector<256x1xi32>,
    return
  }
  func.func @transform_0(%arg0: i32) -> (i32, i32) {
    %c0_i32 = arith.constant 0 : i32
    %c0_i32_0 = arith.constant 0 : i32
    return %arg0, %c0_i32 : i32, i32
  }
  func.func @transform_1(%arg0: i32) -> (i32, i32) {
    %c0_i32 = arith.constant 0 : i32
    %c0_i32_0 = arith.constant 0 : i32
    return %arg0, %c0_i32 : i32, i32
  }
  func.func @transform_2(%arg0: i32) -> (i32, i32) {
    %c0_i32 = arith.constant 0 : i32
    %c0_i32_0 = arith.constant 0 : i32
    return %arg0, %c0_i32 : i32, i32
  }
  func.func @transform_3(%arg0: i32) -> (i32, i32) {
    %c0_i32 = arith.constant 0 : i32
    %c0_i32_0 = arith.constant 0 : i32
    return %arg0, %c0_i32 : i32, i32
  }
  func.func @transform_4(%arg0: i32) -> (i32, i32) {
    %c0_i32 = arith.constant 0 : i32
    %c0_i32_0 = arith.constant 0 : i32
    %c0_i32_1 = arith.constant 0 : i32
    return %c0_i32, %c0_i32_0 : i32, i32
  }
  func.func @transform_5(%arg0: i32) -> (i32, i32) {
    %c0_i32 = arith.constant 0 : i32
    %c0_i32_0 = arith.constant 0 : i32
    %c0_i32_1 = arith.constant 0 : i32
    return %c0_i32, %c0_i32_0 : i32, i32
  }
  func.func @transform_6(%arg0: i32) -> (i32, i32) {
    %c0_i32 = arith.constant 0 : i32
    %c0_i32_0 = arith.constant 0 : i32
    %c0_i32_1 = arith.constant 0 : i32
    return %c0_i32, %c0_i32_0 : i32, i32
  }
  func.func @transform_7(%arg0: i32) -> (i32, i32) {
    %c0_i32 = arith.constant 0 : i32
    %c0_i32_0 = arith.constant 0 : i32
    return %arg0, %c0_i32 : i32, i32
  }
  func.func @transform_8(%arg0: i32) -> (i32, i32) {
    %c0_i32 = arith.constant 0 : i32
    %c0_i32_0 = arith.constant 0 : i32
    return %arg0, %c0_i32 : i32, i32
  }
  func.func @transform_9(%arg0: i32) -> (i32, i32) {
    %c0_i32 = arith.constant 0 : i32
    %c0_i32_0 = arith.constant 0 : i32
    %c0_i32_1 = arith.constant 0 : i32
    return %c0_i32, %c0_i32_0 : i32, i32
  }
  func.func @transform_10(%arg0: i32) -> (i32, i32) {
    %c0_i32 = arith.constant 0 : i32
    %c0_i32_0 = arith.constant 0 : i32
    %c0_i32_1 = arith.constant 0 : i32
    return %c0_i32, %c0_i32_0 : i32, i32
  }
}

module attributes {stable_mosaic.version = 14 : i64} {
  func.func @_nll_body(%arg0: memref<4096x2xf32, #tpu.memory_space<vmem>>, %arg1: memref<4096x2xf32, #tpu.memory_space<vmem>>, %arg2: memref<4096x1xf32, #tpu.memory_space<vmem>>, %arg3: memref<4096x1xf32, #tpu.memory_space<vmem>>, %arg4: memref<4096x1xf32, #tpu.memory_space<vmem>>, %arg5: memref<4096x1xf32, #tpu.memory_space<vmem>>, %arg6: memref<2xf32, #tpu.memory_space<smem>>, %arg7: memref<1x1xf32, #tpu.memory_space<smem>>) attributes {dimension_semantics = [], scalar_prefetch = 0 : i64, scratch_operands = 0 : i64, tpu.core_type = #tpu.core_type<tc>} {
    %get3A = arith.constant 0 : index
    %get3A_0 = memref.load %arg6[%get3A] : memref<2xf32, #tpu.memory_space<smem>>
    %get3A_1 = arith.constant 1 : index
    %get3A_2 = memref.load %arg6[%get3A_1] : memref<2xf32, #tpu.memory_space<smem>>
    %get3A_3 = arith.constant 0 : index
    %get3A_4 = arith.constant 0 : index
    %get3A_5 = vector.load %arg0[%get3A_3, %get3A_4] : memref<4096x2xf32, #tpu.memory_space<vmem>>, vector<4096x1xf32>
    %get3A_6 = arith.constant 0 : index
    %get3A_7 = arith.constant 1 : index
    %get3A_8 = vector.load %arg0[%get3A_6, %get3A_7] : memref<4096x2xf32, #tpu.memory_space<vmem>>, vector<4096x1xf32>
    %get3A_9 = arith.constant 0 : index
    %get3A_10 = arith.constant 0 : index
    %get3A_11 = vector.load %arg1[%get3A_9, %get3A_10] : memref<4096x2xf32, #tpu.memory_space<vmem>>, vector<4096x1xf32>
    %get3A_12 = arith.constant 0 : index
    %get3A_13 = arith.constant 1 : index
    %get3A_14 = vector.load %arg1[%get3A_12, %get3A_13] : memref<4096x2xf32, #tpu.memory_space<vmem>>, vector<4096x1xf32>
    %add3A = arith.addf %get3A_5, %get3A_11 : vector<4096x1xf32>
    %add3A_15 = vector.broadcast %get3A_0 : f32 to vector<4096x1xf32>
    %add3A_16 = arith.addf %add3A, %add3A_15 : vector<4096x1xf32>
    %add3A_17 = arith.addf %get3A_8, %get3A_14 : vector<4096x1xf32>
    %add3A_18 = vector.broadcast %get3A_2 : f32 to vector<4096x1xf32>
    %add3A_19 = arith.addf %add3A_17, %add3A_18 : vector<4096x1xf32>
    %max3A = arith.maximumf %add3A_16, %add3A_19 : vector<4096x1xf32>
    %sub3A = arith.subf %add3A_16, %max3A : vector<4096x1xf32>
    %exp3A = math.exp %sub3A : vector<4096x1xf32>
    %sub3A_20 = arith.subf %add3A_19, %max3A : vector<4096x1xf32>
    %exp3A_21 = math.exp %sub3A_20 : vector<4096x1xf32>
    %add3A_22 = arith.addf %exp3A, %exp3A_21 : vector<4096x1xf32>
    %log3A = math.log %add3A_22 : vector<4096x1xf32>
    %add3A_23 = arith.addf %max3A, %log3A : vector<4096x1xf32>
    %sub3A_24 = arith.subf %add3A_23, %add3A_19 : vector<4096x1xf32>
    %reduce_sum3A = vector.shape_cast %sub3A_24 : vector<4096x1xf32> to vector<1x4096x1xf32>
    %reduce_sum3A_25 = arith.constant dense<0.000000e+00> : vector<1xf32>
    %reduce_sum3A_26 = vector.multi_reduction <add>, %reduce_sum3A, %reduce_sum3A_25 [1, 2] : vector<1x4096x1xf32> to vector<1xf32>
    %reduce_sum3A_27 = vector.shape_cast %reduce_sum3A_26 : vector<1xf32> to vector<1x1x1xf32>
    %reduce_sum3A_28 = vector.extract %reduce_sum3A_27[0, 0, 0] : f32 from vector<1x1x1xf32>
    %get3A_29 = arith.constant 0 : index
    %get3A_30 = arith.constant 0 : index
    %get3A_31 = vector.load %arg2[%get3A_29, %get3A_30] : memref<4096x1xf32, #tpu.memory_space<vmem>>, vector<4096x1xf32>
    %add3A_32 = arith.addf %get3A_5, %get3A_31 : vector<4096x1xf32>
    %add3A_33 = vector.broadcast %get3A_0 : f32 to vector<4096x1xf32>
    %add3A_34 = arith.addf %add3A_32, %add3A_33 : vector<4096x1xf32>
    %get3A_35 = arith.constant 0 : index
    %get3A_36 = arith.constant 0 : index
    %get3A_37 = vector.load %arg3[%get3A_35, %get3A_36] : memref<4096x1xf32, #tpu.memory_space<vmem>>, vector<4096x1xf32>
    %add3A_38 = arith.addf %get3A_8, %get3A_37 : vector<4096x1xf32>
    %add3A_39 = vector.broadcast %get3A_2 : f32 to vector<4096x1xf32>
    %add3A_40 = arith.addf %add3A_38, %add3A_39 : vector<4096x1xf32>
    %max3A_41 = arith.maximumf %add3A_34, %add3A_40 : vector<4096x1xf32>
    %sub3A_42 = arith.subf %add3A_34, %max3A_41 : vector<4096x1xf32>
    %exp3A_43 = math.exp %sub3A_42 : vector<4096x1xf32>
    %sub3A_44 = arith.subf %add3A_40, %max3A_41 : vector<4096x1xf32>
    %exp3A_45 = math.exp %sub3A_44 : vector<4096x1xf32>
    %add3A_46 = arith.addf %exp3A_43, %exp3A_45 : vector<4096x1xf32>
    %log3A_47 = math.log %add3A_46 : vector<4096x1xf32>
    %add3A_48 = arith.addf %max3A_41, %log3A_47 : vector<4096x1xf32>
    %sub3A_49 = arith.subf %add3A_48, %add3A_34 : vector<4096x1xf32>
    %reduce_sum3A_50 = vector.shape_cast %sub3A_49 : vector<4096x1xf32> to vector<1x4096x1xf32>
    %reduce_sum3A_51 = arith.constant dense<0.000000e+00> : vector<1xf32>
    %reduce_sum3A_52 = vector.multi_reduction <add>, %reduce_sum3A_50, %reduce_sum3A_51 [1, 2] : vector<1x4096x1xf32> to vector<1xf32>
    %reduce_sum3A_53 = vector.shape_cast %reduce_sum3A_52 : vector<1xf32> to vector<1x1x1xf32>
    %reduce_sum3A_54 = vector.extract %reduce_sum3A_53[0, 0, 0] : f32 from vector<1x1x1xf32>
    %add3A_55 = arith.addf %reduce_sum3A_28, %reduce_sum3A_54 : f32
    %get3A_56 = arith.constant 0 : index
    %get3A_57 = arith.constant 0 : index
    %get3A_58 = vector.load %arg4[%get3A_56, %get3A_57] : memref<4096x1xf32, #tpu.memory_space<vmem>>, vector<4096x1xf32>
    %add3A_59 = arith.addf %get3A_58, %get3A_11 : vector<4096x1xf32>
    %add3A_60 = vector.broadcast %get3A_0 : f32 to vector<4096x1xf32>
    %add3A_61 = arith.addf %add3A_59, %add3A_60 : vector<4096x1xf32>
    %get3A_62 = arith.constant 0 : index
    %get3A_63 = arith.constant 0 : index
    %get3A_64 = vector.load %arg5[%get3A_62, %get3A_63] : memref<4096x1xf32, #tpu.memory_space<vmem>>, vector<4096x1xf32>
    %add3A_65 = arith.addf %get3A_64, %get3A_14 : vector<4096x1xf32>
    %add3A_66 = vector.broadcast %get3A_2 : f32 to vector<4096x1xf32>
    %add3A_67 = arith.addf %add3A_65, %add3A_66 : vector<4096x1xf32>
    %max3A_68 = arith.maximumf %add3A_61, %add3A_67 : vector<4096x1xf32>
    %sub3A_69 = arith.subf %add3A_61, %max3A_68 : vector<4096x1xf32>
    %exp3A_70 = math.exp %sub3A_69 : vector<4096x1xf32>
    %sub3A_71 = arith.subf %add3A_67, %max3A_68 : vector<4096x1xf32>
    %exp3A_72 = math.exp %sub3A_71 : vector<4096x1xf32>
    %add3A_73 = arith.addf %exp3A_70, %exp3A_72 : vector<4096x1xf32>
    %log3A_74 = math.log %add3A_73 : vector<4096x1xf32>
    %add3A_75 = arith.addf %max3A_68, %log3A_74 : vector<4096x1xf32>
    %sub3A_76 = arith.subf %add3A_75, %add3A_61 : vector<4096x1xf32>
    %reduce_sum3A_77 = vector.shape_cast %sub3A_76 : vector<4096x1xf32> to vector<1x4096x1xf32>
    %reduce_sum3A_78 = arith.constant dense<0.000000e+00> : vector<1xf32>
    %reduce_sum3A_79 = vector.multi_reduction <add>, %reduce_sum3A_77, %reduce_sum3A_78 [1, 2] : vector<1x4096x1xf32> to vector<1xf32>
    %reduce_sum3A_80 = vector.shape_cast %reduce_sum3A_79 : vector<1xf32> to vector<1x1x1xf32>
    %reduce_sum3A_81 = vector.extract %reduce_sum3A_80[0, 0, 0] : f32 from vector<1x1x1xf32>
    %add3A_82 = arith.addf %add3A_55, %reduce_sum3A_81 : f32
    %div3A = arith.constant 1.228800e+04 : f32
    %div3A_83 = arith.divf %add3A_82, %div3A : f32
    %swap3A = arith.constant 0 : index
    %swap3A_84 = arith.constant 0 : index
    %swap3A_85 = memref.load %arg7[%swap3A, %swap3A_84] : memref<1x1xf32, #tpu.memory_space<smem>>
    memref.store %div3A_83, %arg7[%swap3A, %swap3A_84] : memref<1x1xf32, #tpu.memory_space<smem>>
    return
  }
}

</mosaic_0001>

<sc_bundles>
// kernel: kernel.5.cloned.1.call-start
scs
__scs_entry_jumppad:
0x0: {  	(pc) =	sbr.rel $0x88, $3  }
0x1: {  	(tag) =	ssettag $0x0;
	lr =	simm.s32 $0x1  }
0x2: {  	[smem:$0x3F9B] =	sst lr;
	_ =	strace $0xD0000000  }
0x3: {  	_ = 	snop  }
0x4: {  	_ = 	snop  }
0x5: {  	_ = 	snop  }
0x6: {  	_ = 	snop  }
0x7: {  	_ = 	snop  }
__scs_overlays_trampoline_lowered:
0x8: {  	[smem:$0x3FAA] =	sst s0  }
0x9: {  	[smem:$0x3FAB] =	sst s1  }
0xa: {  	[smem:$0x3FAC] =	sst s2  }
0xb: {  	[smem:$0x3FAD] =	sst s3  }
0xc: {  	[smem:$0x3FAE] =	sst s4  }
0xd: {  	[smem:$0x3FAF] =	sst s5  }
0xe: {  	[smem:$0x3FB0] =	sst s6  }
0xf: {  	[smem:$0x3FB1] =	sst s7  }
0x10: {  	[smem:$0x3FB2] =	sst s8  }
0x11: {  	[smem:$0x3FB3] =	sst s9;
	s0 =	simm.s32 @!p0 $0x0  }
0x12: {  	s1 =	sld [smem:$0x3F99];
	s0 =	simm.s32 @p0 $0x1  }
0x13: {  	[smem:$0x3FB4] =	sst s0;
	s0 =	simm.s32 @!p1 $0x0  }
0x14: {  	s2 =	sld [smem:$0x3F98];
	s0 =	simm.s32 @p1 $0x1  }
0x15: {  	[smem:$0x3FB5] =	sst s0;
	s0 =	simm.s32 @!p2 $0x0  }
0x16: {  	s3 =	sld [smem:$0x3FDB];
	s0 =	simm.s32 @p2 $0x1  }
0x17: {  	s4 =	simm.s32 $0x1BF5;
	[smem:$0x3FB7] =	sst s0  }
0x18: {  	s0 =	sld [smem:$0x3F9A];
	_ =	swait.ge [sflag:s4], $0x0  }
0x19: {  	s7 =	sld [smem:$0x3F9B]  }
0x1a: {  	s8 =	sadd.s32 $0xFFFFE003, lr  }
0x1b: {  	s9 =	sadd.s32 $0xFFFFFEF7, lr;
	s5 =	simm.s32 $0xFFFFFFFF;
	p2 =	slt.u32 s8, $0xFFFFF086  }
0x1c: {  	p1 =	slt.u32 s9, $0xF7A;
	s5 =	simm.s32 @!p2 $0x0  }
0x1d: {  	s5 =	simm.s32 @p1 $0x1;
	p0 =	seq.s32 s7, s2  }
0x1e: {  	s7 =	smul.u32 @!p0 $0xF7A, s2;
	p2 =	seq.s32 @!p0 s5, $0x0  }
0x1f: {  	s9 =	smul.u32 $0xF7A, s1;
	s8 =	simm.s32 @!p0 $0x1BF5;
	p2 =	por !p2, p0  }
0x20: {  	[sflag:s8] =	ssyncset.s32 @!p0 $0xFFFFF086;
	s6 =	sadd.s32 @!p0 s3, s7;
	s7 =	simm.s32 @!p0 $0x108  }
0x21: {  	s3 =	sadd.s32 s3, s9;
	s6 =	sadd.s32 @!p0 $0x88, s6;
	s7 =	simm.s32 @p2 $0x1082  }
0x22: {  	[simem:s7], [sflag:s8] =	dma.local @!p0 [hbm:s6], $0xF7A  }
0x23: {  	s9 =	sor.u32 $0xD0000000, s2;
	s6 =	simm.s32 $0x108;
	_ =	swait.ge @!p0 [sflag:s8], $0x0  }
0x24: {  	s3 =	sadd.s32 $0x88, s3;
	s6 =	simm.s32 @!p1 $0x1082;
	[sflag:s4] =	ssyncset.s32 $0xFFFFF086  }
0x25: {  	[simem:s6], [sflag:s4] =	dma.local [hbm:s3], $0xF7A  }
0x26: {  	[smem:$0x3F9B] =	sst s1;
	(tag) =	ssettag s2;
	_ =	strace s9  }
0x27: {  	s1 =	sld [smem:$0x3FAB]  }
0x28: {  	s2 =	sld [smem:$0x3FAC]  }
0x29: {  	s4 =	sld [smem:$0x3FAE]  }
0x2a: {  	p0 =	seq.s32 s5, $0x0;
	s5 =	sld [smem:$0x3FAF]  }
0x2b: {  	s6 =	sld [smem:$0x3FB0]  }
0x2c: {  	s7 =	sld [smem:$0x3FB1]  }
0x2d: {  	s3 =	simm.s32 $0x108;
	s8 =	sld [smem:$0x3FB2]  }
0x2e: {  	s3 =	simm.s32 @!p0 $0x1082;
	s9 =	sld [smem:$0x3FB3]  }
0x2f: {  	lr =	sadd.s32 s0, s3;
	s0 =	sld [smem:$0x3FAA]  }
0x30: {  	s3 =	sld [smem:$0x3FAD]  }
0x31: {  	[smem:$0x3FB6] =	sst s10  }
0x32: {  	s10 =	sld [smem:$0x3FB4];
	_ =	sdelay $0x3  }
0x33: {  	p0 =	seq.s32 s10, $0x1;
	s10 =	sld [smem:$0x3FB6];
	_ =	sdelay $0x3  }
0x34: {  	[smem:$0x3FB6] =	sst s10  }
0x35: {  	s10 =	sld [smem:$0x3FB5];
	_ =	sdelay $0x3  }
0x36: {  	p1 =	seq.s32 s10, $0x1;
	s10 =	sld [smem:$0x3FB6];
	_ =	sdelay $0x3  }
0x37: {  	[smem:$0x3FB6] =	sst s10  }
0x38: {  	s10 =	sld [smem:$0x3FB7]  }
0x39: {  	_ = 	snop;
	(pc) =	sbr.ind lr, $3  }
0x3a: {  	_ = 	snop  }
0x3b: {  	_ = 	snop  }
0x3c: {  	p2 =	seq.s32 s10, $0x1;
	s10 =	sld [smem:$0x3FB6]  }
0x3d: {  	_ =	shalt  }
0x3e: {  	_ =	shalt  }
0x3f: {  	_ =	shalt  }
0x40: {  	_ =	shalt  }
0x41: {  	_ =	shalt  }
0x42: {  	_ =	shalt  }
0x43: {  	_ =	shalt  }
0x44: {  	_ =	shalt  }
0x45: {  	_ =	shalt  }
0x46: {  	_ =	shalt  }
0x47: {  	_ =	shalt  }
0x48: {  	_ =	shalt  }
0x49: {  	_ =	shalt  }
0x4a: {  	_ =	shalt  }
0x4b: {  	_ =	shalt  }
0x4c: {  	_ =	shalt  }
0x4d: {  	_ =	shalt  }
0x4e: {  	_ =	shalt  }
0x4f: {  	_ =	shalt  }
0x50: {  	_ =	shalt  }
0x51: {  	_ =	shalt  }
0x52: {  	_ =	shalt  }
0x53: {  	_ =	shalt  }
0x54: {  	_ =	shalt  }
0x55: {  	_ =	shalt  }
0x56: {  	_ =	shalt  }
0x57: {  	_ =	shalt  }
0x58: {  	_ =	shalt  }
0x59: {  	_ =	shalt  }
0x5a: {  	_ =	shalt  }
0x5b: {  	_ =	shalt  }
0x5c: {  	_ =	shalt  }
0x5d: {  	_ =	shalt  }
0x5e: {  	_ =	shalt  }
0x5f: {  	_ =	shalt  }
0x60: {  	_ =	shalt  }
0x61: {  	_ =	shalt  }
0x62: {  	_ =	shalt  }
0x63: {  	_ =	shalt  }
0x64: {  	_ =	shalt  }
0x65: {  	_ =	shalt  }
0x66: {  	_ =	shalt  }
0x67: {  	_ =	shalt  }
0x68: {  	_ =	shalt  }
0x69: {  	_ =	shalt  }
0x6a: {  	_ =	shalt  }
0x6b: {  	_ =	shalt  }
0x6c: {  	_ =	shalt  }
0x6d: {  	_ =	shalt  }
0x6e: {  	_ =	shalt  }
0x6f: {  	_ =	shalt  }
0x70: {  	_ =	shalt  }
0x71: {  	_ =	shalt  }
0x72: {  	_ =	shalt  }
0x73: {  	_ =	shalt  }
0x74: {  	_ =	shalt  }
0x75: {  	_ =	shalt  }
0x76: {  	_ =	shalt  }
0x77: {  	_ =	shalt  }
0x78: {  	_ =	shalt  }
0x79: {  	_ =	shalt  }
0x7a: {  	_ =	shalt  }
0x7b: {  	_ =	shalt  }
0x7c: {  	_ =	shalt  }
0x7d: {  	_ =	shalt  }
0x7e: {  	_ =	shalt  }
0x7f: {  	_ =	shalt  }
0x80: {  	_ =	shalt  }
0x81: {  	_ =	shalt  }
0x82: {  	_ =	shalt  }
0x83: {  	_ =	shalt  }
0x84: {  	_ =	shalt  }
0x85: {  	_ =	shalt  }
0x86: {  	_ =	shalt  }
0x87: {  	_ =	shalt  }
.Lfunc_end0:
.L_simem_size_0:
called_computation_lowered:
.L_overlay_start_0:
0x88: {  	s2 =	sld [smem:$0x3FD9]  }
0x89: {  	s3 =	sld [smem:$0x3FFE];
	_ =	sdelay $0x1  }
0x8a: {  	s1 =	srdreg.scid  }
0x8b: {  	s0 =	sand.u32 $0x1, s1  }
0x8c: {  	s16 =	sshll.u32 s0, $0xA;
	s2 =	sadd.s32 s3, s2  }
0x8d: {  	s2 =	sadd.s32 s2, s16  }
0x8e: {  	[smem:$0x3FC2] =	sst s2  }
0x8f: {  	_ = 	snop  }
0x90: {  	(tm) =	ssettm $0x1  }
0x91: {  	s17 =	sld [smem:$0x3FFB];
	_ =	sdelay $0x3  }
0x92: {  	_ =	strace s17  }
0x93: {  	s2 =	sld [smem:$0x3FFC];
	_ =	sdelay $0x3  }
0x94: {  	_ =	strace s2  }
0x95: {  	s2 =	sld [smem:$0x3FFD];
	_ =	sdelay $0x3  }
0x96: {  	_ =	strace s2  }
0x97: {  	_ =	strace $0x8FFFFFFF  }
0x98: {  	s18 =	sld [smem:$0x3FDB];
	_ =	sdelay $0x1  }
0x99: {  	s19 =	simm.s32 $_scs_section_size  }
0x9a: {  	s4 =	simm.s32 $_size__tile_overlayer_lowered;
	s5 =	simm.s32 $_tile_overlayer_lowered  }
0x9b: {  	s22 =	simm.s32 $0x1BFF;
	s21 =	sshll.u32 s5, $0x1;
	s2 =	sadd.s32 s19, s18  }
0x9c: {  	s6 =	simm.s32 $0x0;
	s20 =	sshll.u32 s4, $0x1;
	s4 =	sadd.s32 s21, s2  }
0x9d: {  	[timem:s6], [sflag:s22] =	dma.local [hbm:s4], s20  }
0x9e: {  	_ =	swait.ge [sflag:s22], s20  }
0x9f: {  	s3 =	ssub.s32 $0x0, s20;
	[sflag:s22] =	ssyncset.done $0x0  }
0xa0: {  	[sflag:s22] =	ssyncadd.s32 s3;
	_ =	sdelay $0x1  }
0xa1: {  	s23 =	simm.s32 $0x1B8B  }
0xa2: {  	_ =	swait.ge [sflag:s23], $0x1  }
0xa3: {  	[sflag:s23] =	ssyncset.done $0x0  }
0xa4: {  	s25 =	simm.s32 $0x1B8E;
	s24 =	sld [smem:$0x3FFE];
	[sflag:s23] =	ssyncadd.s32 $0xFFFFFFFF  }
0xa5: {  	s26 =	simm.s32 $execute0_lowered;
	[smem:$0x3FD2] =	sst s25  }
0xa6: {  	s4 =	sshll.u32 s26, $0x1;
	_ =	strace $0x80000046;
	[dreg:$0x1] =	wrdreg $0xFFFFFFFF  }
0xa7: {  	s28 =	simm.s32 $_size_execute0_lowered;
	s2 =	sadd.s32 s2, s4;
	[dreg:$0x0] =	wrdreg $0x0  }
0xa8: {  	s4 =	sshll.u32 s28, $0x1;
	[dreg:$0x2] =	wrdreg s2  }
0xa9: {  	[dreg:$0x3] =	wrdreg s4  }
0xaa: {  	[dreg:$0x4] =	wrdreg $0xC0  }
0xab: {  	_ =	task [dreg:s6], $0x5FFFF  }
0xac: {  	[dreg:$0x1] =	wrdreg $0xFFFFFFFF  }
0xad: {  	[dreg:$0x0] =	wrdreg $0x60  }
0xae: {  	[dreg:$0x2] =	wrdreg s24  }
0xaf: {  	[dreg:$0x3] =	wrdreg $0x9  }
0xb0: {  	_ =	task.clear_ibuf [dreg:s6], $0x4FFFF;
	_ =	strace $0x90000046  }
0xb1: {  	s29 =	simm.s32 $0x9;
	_ =	strace $0x80000048  }
0xb2: {  	_ =	swait.ge [sflag:s29], $0x1  }
0xb3: {  	[sflag:s29] =	ssyncadd.s32 $0xFFFFFFFF  }
0xb4: {  	_ =	strace $0x90000048  }
0xb5: {  	_ =	sfence  }
0xb6: {  	s30 =	sld [smem:$0x0];
	_ =	sdelay $0x2  }
0xb7: {  	s31 =	sshll.u32 s1, $0xD;
	s1 =	sshrl.u32 s1, $0x2  }
0xb8: {  	s3 =	sand.u32 $0x4000, s31;
	s1 =	sadd.s32 s1, s30  }
0xb9: {  	s0 =	sor.u32 s3, s0;
	s1 =	sshll.u32 s1, $0x11  }
0xba: {  	s0 =	sor.u32 s1, s0  }
0xbb: {  	s0 =	sadd.s32 $0x8F2B, s0  }
0xbc: {  	[sflag:s0] =	ssyncadd.remote.s32 $0x1  }
0xbd: {  	_ =	sfence.sel $0xFFFF  }
0xbe: {  	[dreg:$0x0] =	wrdreg $0xFFFFFFFF;
	(pc) =	sbr.abs _section_cstart, $3  }
0xbf: {  	[dreg:$0x1] =	wrdreg $0xFFFFFFFF  }
0xc0: {  	_ =	task.clear_ibuf [dreg:s6], $0x2FFFF;
	_ =	strace $0x9FFFFFFF  }
0xc1: {  	(tm) =	ssettm $0x7FFFFFFF  }
tec
execute0_lowered:
.L_overlay_start_1:
0x0: {  	(tag) =	ssettag $0x1  }
0x1: {  	s1 =	srdreg.scid  }
0x2: {  	s0 =	stileid.u32;
	s15 =	sand.u32 $0x1, s1  }
0x3: {  	s9 =	rddreg [dreg:$0x0];
	s3 =	sshll.u32 s0, $0x5;
	s4 =	sshll.u32 s15, $0x4  }
0x4: {  	s2 =	simm.s32 $0x0;
	s1 =	rddreg [dreg:$0x1];
	s3 =	sor.u32 s4, s3  }
0x5: {  	[smem:$0x7FF] =	sst s2;
	s17 =	sadd.s32 s3, s9  }
0x6: {  	_ =	strace $0x80000047;
	s3 =	simm.s32 $0x1;
	s4 =	sadd.s32 $0xC00, s17  }
0x7: {  	[tilespmem:s2], [sflag:$0x1] =	stream.linear.gather [hbm4b:s4+s2], $0x80, $0x38;
	[tilespmem:$0x4300] =	vst v63  }
0x8: {  	_ =	swait.ge [sflag:s3], $0x80  }
0x9: {  	[sflag:s3] =	ssyncset.done $0x0  }
0xa: {  	s6 =	simm.s32 $0x80;
	s5 =	sadd.s32 $0xE00, s17;
	[sflag:s3] =	ssyncadd.s32 $0xFFFFFF80  }
0xb: {  	[tilespmem:s6], [sflag:$0x1] =	stream.linear.gather [hbm4b:s5+s2], $0x80, $0x38;
	[tilespmem:$0x4300] =	vst v63  }
0xc: {  	_ =	swait.ge [sflag:s3], $0x80  }
0xd: {  	[sflag:s3] =	ssyncset.done $0x0  }
0xe: {  	s8 =	simm.s32 $0x100;
	s7 =	sadd.s32 $0x1000, s9;
	[sflag:s3] =	ssyncadd.s32 $0xFFFFFF80  }
0xf: {  	[tilespmem:s8], [sflag:$0x1] =	stream.linear.gather [hbm4b:s7+s2], $0x2000, $0x38;
	[tilespmem:$0x4300] =	vst v63  }
0x10: {  	_ =	swait.ge [sflag:s3], $0x2000  }
0x11: {  	[sflag:s3] =	ssyncset.done $0x0  }
0x12: {  	s10 =	simm.s32 $0x2100;
	s9 =	sadd.s32 $0x1400, s9;
	[sflag:s3] =	ssyncadd.s32 $0xFFFFE000  }
0x13: {  	[tilespmem:s10], [sflag:$0x1] =	stream.linear.gather [hbm4b:s9+s2], $0x2000, $0x38;
	[tilespmem:$0x4300] =	vst v63  }
0x14: {  	_ =	swait.ge [sflag:s3], $0x2000  }
0x15: {  	[sflag:s3] =	ssyncset.done $0x0  }
0x16: {  	[sflag:s3] =	ssyncadd.s32 $0xFFFFE000  }
0x17: {  	v0 =	vld [tilespmem:$0x0];
	_ =	sdelay $0x4  }
0x18: {  	v0 =	vshll.u32 v0, $0x1;
	_ =	sdelay $0x4  }
0x19: {  	v1 =	vld.idx.msk [tilespmem:v0+s10+$0x0], $0xffff  }
0x1a: {  	v0 =	vor.u32 $0x1, v0  }
0x1b: {  	v2 =	vld [tilespmem:$0x80];
	_ =	sdelay $0x2  }
0x1c: {  	[tilespmem:$0x4100] =	vst v1  }
0x1d: {  	v0 =	vld.idx.msk [tilespmem:v0+s10+$0x0], $0xffff  }
0x1e: {  	v35 =	vshll.u32 v2, $0x1;
	_ =	sdelay $0x3  }
0x1f: {  	[tilespmem:$0x4180] =	vst v0  }
0x20: {  	v0 =	vld.idx.msk [tilespmem:v35+s8+$0x0], $0xffff  }
0x21: {  	v1 =	vor.u32 $0x1, v35  }
0x22: {  	v36 =	vld [tilespmem:$0x10];
	_ =	sdelay $0x2  }
0x23: {  	[tilespmem:$0x4200] =	vst v0  }
0x24: {  	v0 =	vld.idx.msk [tilespmem:v1+s8+$0x0], $0xffff  }
0x25: {  	v37 =	vshll.u32 v36, $0x1;
	_ =	sdelay $0x3  }
0x26: {  	[tilespmem:$0x4280] =	vst v0  }
0x27: {  	v0 =	vld.idx.msk [tilespmem:v37+s10+$0x0], $0xffff  }
0x28: {  	v1 =	vor.u32 $0x1, v37  }
0x29: {  	v38 =	vld [tilespmem:$0x90];
	_ =	sdelay $0x2  }
0x2a: {  	[tilespmem:$0x4110] =	vst v0  }
0x2b: {  	v0 =	vld.idx.msk [tilespmem:v1+s10+$0x0], $0xffff  }
0x2c: {  	v39 =	vshll.u32 v38, $0x1;
	_ =	sdelay $0x3  }
0x2d: {  	[tilespmem:$0x4190] =	vst v0  }
0x2e: {  	v0 =	vld.idx.msk [tilespmem:v39+s8+$0x0], $0xffff  }
0x2f: {  	v1 =	vor.u32 $0x1, v39  }
0x30: {  	v40 =	vld [tilespmem:$0x20];
	_ =	sdelay $0x2  }
0x31: {  	[tilespmem:$0x4210] =	vst v0  }
0x32: {  	v0 =	vld.idx.msk [tilespmem:v1+s8+$0x0], $0xffff  }
0x33: {  	v41 =	vshll.u32 v40, $0x1;
	_ =	sdelay $0x3  }
0x34: {  	[tilespmem:$0x4290] =	vst v0  }
0x35: {  	v0 =	vld.idx.msk [tilespmem:v41+s10+$0x0], $0xffff  }
0x36: {  	v1 =	vor.u32 $0x1, v41  }
0x37: {  	v42 =	vld [tilespmem:$0xA0];
	_ =	sdelay $0x2  }
0x38: {  	[tilespmem:$0x4120] =	vst v0  }
0x39: {  	v0 =	vld.idx.msk [tilespmem:v1+s10+$0x0], $0xffff  }
0x3a: {  	v43 =	vshll.u32 v42, $0x1;
	_ =	sdelay $0x3  }
0x3b: {  	[tilespmem:$0x41A0] =	vst v0  }
0x3c: {  	v0 =	vld.idx.msk [tilespmem:v43+s8+$0x0], $0xffff  }
0x3d: {  	v1 =	vor.u32 $0x1, v43  }
0x3e: {  	v44 =	vld [tilespmem:$0x30];
	_ =	sdelay $0x2  }
0x3f: {  	[tilespmem:$0x4220] =	vst v0  }
0x40: {  	v0 =	vld.idx.msk [tilespmem:v1+s8+$0x0], $0xffff  }
0x41: {  	v45 =	vshll.u32 v44, $0x1;
	_ =	sdelay $0x3  }
0x42: {  	[tilespmem:$0x42A0] =	vst v0  }
0x43: {  	v0 =	vld.idx.msk [tilespmem:v45+s10+$0x0], $0xffff  }
0x44: {  	v1 =	vor.u32 $0x1, v45  }
0x45: {  	v46 =	vld [tilespmem:$0xB0];
	_ =	sdelay $0x2  }
0x46: {  	[tilespmem:$0x4130] =	vst v0  }
0x47: {  	v0 =	vld.idx.msk [tilespmem:v1+s10+$0x0], $0xffff  }
0x48: {  	v47 =	vshll.u32 v46, $0x1;
	_ =	sdelay $0x3  }
0x49: {  	[tilespmem:$0x41B0] =	vst v0  }
0x4a: {  	v0 =	vld.idx.msk [tilespmem:v47+s8+$0x0], $0xffff  }
0x4b: {  	v1 =	vor.u32 $0x1, v47  }
0x4c: {  	v48 =	vld [tilespmem:$0x40];
	_ =	sdelay $0x2  }
0x4d: {  	[tilespmem:$0x4230] =	vst v0  }
0x4e: {  	v0 =	vld.idx.msk [tilespmem:v1+s8+$0x0], $0xffff  }
0x4f: {  	v49 =	vshll.u32 v48, $0x1;
	_ =	sdelay $0x3  }
0x50: {  	[tilespmem:$0x42B0] =	vst v0  }
0x51: {  	v0 =	vld.idx.msk [tilespmem:v49+s10+$0x0], $0xffff  }
0x52: {  	v1 =	vor.u32 $0x1, v49  }
0x53: {  	v50 =	vld [tilespmem:$0xC0];
	_ =	sdelay $0x2  }
0x54: {  	[tilespmem:$0x4140] =	vst v0  }
0x55: {  	v0 =	vld.idx.msk [tilespmem:v1+s10+$0x0], $0xffff  }
0x56: {  	v51 =	vshll.u32 v50, $0x1;
	_ =	sdelay $0x3  }
0x57: {  	[tilespmem:$0x41C0] =	vst v0  }
0x58: {  	v0 =	vld.idx.msk [tilespmem:v51+s8+$0x0], $0xffff  }
0x59: {  	v1 =	vor.u32 $0x1, v51  }
0x5a: {  	v52 =	vld [tilespmem:$0x50];
	_ =	sdelay $0x2  }
0x5b: {  	[tilespmem:$0x4240] =	vst v0  }
0x5c: {  	v0 =	vld.idx.msk [tilespmem:v1+s8+$0x0], $0xffff  }
0x5d: {  	v53 =	vshll.u32 v52, $0x1;
	_ =	sdelay $0x3  }
0x5e: {  	[tilespmem:$0x42C0] =	vst v0  }
0x5f: {  	v0 =	vld.idx.msk [tilespmem:v53+s10+$0x0], $0xffff  }
0x60: {  	v1 =	vor.u32 $0x1, v53  }
0x61: {  	v54 =	vld [tilespmem:$0xD0];
	_ =	sdelay $0x2  }
0x62: {  	[tilespmem:$0x4150] =	vst v0  }
0x63: {  	v0 =	vld.idx.msk [tilespmem:v1+s10+$0x0], $0xffff  }
0x64: {  	v55 =	vshll.u32 v54, $0x1;
	_ =	sdelay $0x3  }
0x65: {  	[tilespmem:$0x41D0] =	vst v0  }
0x66: {  	v0 =	vld.idx.msk [tilespmem:v55+s8+$0x0], $0xffff  }
0x67: {  	v1 =	vor.u32 $0x1, v55  }
0x68: {  	v56 =	vld [tilespmem:$0x60];
	_ =	sdelay $0x2  }
0x69: {  	[tilespmem:$0x4250] =	vst v0  }
0x6a: {  	v0 =	vld.idx.msk [tilespmem:v1+s8+$0x0], $0xffff  }
0x6b: {  	v57 =	vshll.u32 v56, $0x1;
	_ =	sdelay $0x3  }
0x6c: {  	[tilespmem:$0x42D0] =	vst v0  }
0x6d: {  	v0 =	vld.idx.msk [tilespmem:v57+s10+$0x0], $0xffff  }
0x6e: {  	v1 =	vor.u32 $0x1, v57  }
0x6f: {  	v58 =	vld [tilespmem:$0xE0];
	_ =	sdelay $0x2  }
0x70: {  	[tilespmem:$0x4160] =	vst v0  }
0x71: {  	v0 =	vld.idx.msk [tilespmem:v1+s10+$0x0], $0xffff  }
0x72: {  	v59 =	vshll.u32 v58, $0x1;
	_ =	sdelay $0x3  }
0x73: {  	[tilespmem:$0x41E0] =	vst v0  }
0x74: {  	v0 =	vld.idx.msk [tilespmem:v59+s8+$0x0], $0xffff  }
0x75: {  	v1 =	vor.u32 $0x1, v59  }
0x76: {  	v60 =	vld [tilespmem:$0x70];
	_ =	sdelay $0x2  }
0x77: {  	[tilespmem:$0x4260] =	vst v0  }
0x78: {  	v0 =	vld.idx.msk [tilespmem:v1+s8+$0x0], $0xffff  }
0x79: {  	v61 =	vshll.u32 v60, $0x1;
	_ =	sdelay $0x3  }
0x7a: {  	[tilespmem:$0x42E0] =	vst v0  }
0x7b: {  	v0 =	vld.idx.msk [tilespmem:v61+s10+$0x0], $0xffff  }
0x7c: {  	v1 =	vor.u32 $0x1, v61  }
0x7d: {  	v62 =	vld [tilespmem:$0xF0];
	_ =	sdelay $0x2  }
0x7e: {  	[tilespmem:$0x4170] =	vst v0  }
0x7f: {  	v0 =	vld.idx.msk [tilespmem:v1+s10+$0x0], $0xffff  }
0x80: {  	v63 =	vshll.u32 v62, $0x1;
	_ =	sdelay $0x3  }
0x81: {  	[tilespmem:$0x41F0] =	vst v0  }
0x82: {  	v0 =	vld.idx.msk [tilespmem:v63+s8+$0x0], $0xffff  }
0x83: {  	v1 =	vor.u32 $0x1, v63;
	_ =	sdelay $0x3  }
0x84: {  	[tilespmem:$0x4270] =	vst v0  }
0x85: {  	v0 =	vld.idx.msk [tilespmem:v1+s8+$0x0], $0xffff;
	_ =	sdelay $0x4  }
0x86: {  	s12 =	simm.s32 $0x4100;
	s11 =	sadd.s32 $0x1A00, s17;
	[tilespmem:$0x42F0] =	vst v0  }
0x87: {  	[hbm4b:s11+s2] =	stream.linear.scatter [tilespmem:s12], [sflag:$0x1], $0x80, $0x38;
	[tilespmem:$0x4300] =	vst v63  }
0x88: {  	_ =	swait.ge [sflag:s3], $0x80  }
0x89: {  	s14 =	simm.s32 $0x4180;
	[sflag:s3] =	ssyncset.done $0x0  }
0x8a: {  	s18 =	ssub.s32 $0x2, s15;
	s13 =	sadd.s32 $0x1800, s17;
	[sflag:s3] =	ssyncadd.s32 $0xFFFFFF80  }
0x8b: {  	[hbm4b:s13+s2] =	stream.linear.scatter [tilespmem:s14], [sflag:$0x1], $0x80, $0x38;
	[tilespmem:$0x4300] =	vst v63  }
0x8c: {  	s19 =	sshrl.u32 s18, $0x1;
	_ =	swait.ge [sflag:s3], $0x80  }
0x8d: {  	s16 =	simm.s32 $0x4200;
	s18 =	ssub.s32 s18, s19;
	[sflag:s3] =	ssyncset.done $0x0  }
0x8e: {  	s15 =	sadd.s32 $0x1C00, s17;
	s19 =	smax.u32 s18, $0x1;
	[sflag:s3] =	ssyncadd.s32 $0xFFFFFF80  }
0x8f: {  	[hbm4b:s15+s2] =	stream.linear.scatter [tilespmem:s16], [sflag:$0x1], $0x80, $0x38;
	[tilespmem:$0x4300] =	vst v63  }
0x90: {  	p0 =	sne.s32 s19, $0x1;
	_ =	swait.ge [sflag:s3], $0x80  }
.Ltmp0:
0x91: {  	[sflag:s3] =	ssyncset.done $0x0;
	(pc) =	sbr.rel @!p0 .LBB2_2-.Ltmp0, $4  }
0x92: {  	s17 =	sadd.s32 $0x1E00, s17;
	s18 =	simm.s32 $0x4280;
	[sflag:s3] =	ssyncadd.s32 $0xFFFFFF80  }
0x93: {  	[hbm4b:s17+s2] =	stream.linear.scatter [tilespmem:s18], [sflag:$0x1], $0x80, $0x38;
	[tilespmem:$0x4300] =	vst v63  }
0x94: {  	_ =	swait.ge [sflag:s3], $0x80  }
0x95: {  	s19 =	sadd.s32 $0xFFFFFFFF, s19;
	[sflag:s3] =	ssyncset.done $0x0  }
.LBB2_1:
0x96: {  	p0 =	sne.s32 s19, $0x1;
	s19 =	sadd.s32 $0xFFFFFFFF, s19;
	[sflag:s3] =	ssyncadd.s32 $0xFFFFFF80  }
0x97: {  	[tilespmem:s2], [sflag:$0x1] =	stream.linear.gather [hbm4b:s4+s2], $0x80, $0x38;
	[tilespmem:$0x4300] =	vst v63  }
0x98: {  	_ =	swait.ge [sflag:s3], $0x80  }
0x99: {  	[sflag:s3] =	ssyncset.done $0x0  }
0x9a: {  	[sflag:s3] =	ssyncadd.s32 $0xFFFFFF80  }
0x9b: {  	[tilespmem:s6], [sflag:$0x1] =	stream.linear.gather [hbm4b:s5+s2], $0x80, $0x38;
	[tilespmem:$0x4300] =	vst v63  }
0x9c: {  	_ =	swait.ge [sflag:s3], $0x80  }
0x9d: {  	[sflag:s3] =	ssyncset.done $0x0  }
0x9e: {  	[sflag:s3] =	ssyncadd.s32 $0xFFFFFF80  }
0x9f: {  	[tilespmem:s8], [sflag:$0x1] =	stream.linear.gather [hbm4b:s7+s2], $0x2000, $0x38;
	[tilespmem:$0x4300] =	vst v63  }
0xa0: {  	_ =	swait.ge [sflag:s3], $0x2000  }
0xa1: {  	[sflag:s3] =	ssyncset.done $0x0  }
0xa2: {  	[sflag:s3] =	ssyncadd.s32 $0xFFFFE000  }
0xa3: {  	[tilespmem:s10], [sflag:$0x1] =	stream.linear.gather [hbm4b:s9+s2], $0x2000, $0x38;
	[tilespmem:$0x4300] =	vst v63  }
0xa4: {  	_ =	swait.ge [sflag:s3], $0x2000  }
0xa5: {  	[sflag:s3] =	ssyncset.done $0x0  }
0xa6: {  	[sflag:s3] =	ssyncadd.s32 $0xFFFFE000  }
0xa7: {  	v0 =	vld [tilespmem:$0x0]  }
0xa8: {  	v9 =	vld [tilespmem:$0x80]  }
0xa9: {  	v10 =	vld [tilespmem:$0x10]  }
0xaa: {  	v11 =	vld [tilespmem:$0x90]  }
0xab: {  	v12 =	vld [tilespmem:$0x20]  }
0xac: {  	v0 =	vshll.u32 v0, $0x1;
	v13 =	vld [tilespmem:$0xA0]  }
0xad: {  	v14 =	vld [tilespmem:$0x30]  }
0xae: {  	v8 =	vld [tilespmem:$0xB0]  }
0xaf: {  	v7 =	vld [tilespmem:$0x40]  }
0xb0: {  	v6 =	vld [tilespmem:$0xC0]  }
0xb1: {  	v15 =	vld.idx.msk [tilespmem:v0+s10+$0x0], $0xffff  }
0xb2: {  	v5 =	vld [tilespmem:$0x50]  }
0xb3: {  	v16 =	vor.u32 $0x1, v0;
	v4 =	vld [tilespmem:$0xD0]  }
0xb4: {  	v3 =	vld [tilespmem:$0x60]  }
0xb5: {  	v2 =	vld [tilespmem:$0xE0]  }
0xb6: {  	v1 =	vld [tilespmem:$0x70]  }
0xb7: {  	[tilespmem:$0x4100] =	vst v15;
	v0 =	vld [tilespmem:$0xF0]  }
0xb8: {  	v15 =	vld.idx.msk [tilespmem:v16+s10+$0x0], $0xffff;
	_ =	sdelay $0x1  }
0xb9: {  	v9 =	vshll.u32 v9, $0x1;
	_ =	sdelay $0x3  }
0xba: {  	[tilespmem:$0x4180] =	vst v15  }
0xbb: {  	v15 =	vld.idx.msk [tilespmem:v9+s8+$0x0], $0xffff;
	_ =	sdelay $0x1  }
0xbc: {  	v9 =	vor.u32 $0x1, v9;
	_ =	sdelay $0x3  }
0xbd: {  	[tilespmem:$0x4200] =	vst v15  }
0xbe: {  	v9 =	vld.idx.msk [tilespmem:v9+s8+$0x0], $0xffff;
	_ =	sdelay $0x1  }
0xbf: {  	v10 =	vshll.u32 v10, $0x1;
	_ =	sdelay $0x3  }
0xc0: {  	[tilespmem:$0x4280] =	vst v9  }
0xc1: {  	v9 =	vld.idx.msk [tilespmem:v10+s10+$0x0], $0xffff;
	_ =	sdelay $0x1  }
0xc2: {  	v10 =	vor.u32 $0x1, v10;
	_ =	sdelay $0x3  }
0xc3: {  	[tilespmem:$0x4110] =	vst v9  }
0xc4: {  	v9 =	vld.idx.msk [tilespmem:v10+s10+$0x0], $0xffff;
	_ =	sdelay $0x1  }
0xc5: {  	v10 =	vshll.u32 v11, $0x1;
	_ =	sdelay $0x3  }
0xc6: {  	[tilespmem:$0x4190] =	vst v9  }
0xc7: {  	v9 =	vld.idx.msk [tilespmem:v10+s8+$0x0], $0xffff;
	_ =	sdelay $0x1  }
0xc8: {  	v10 =	vor.u32 $0x1, v10;
	_ =	sdelay $0x3  }
0xc9: {  	[tilespmem:$0x4210] =	vst v9  }
0xca: {  	v9 =	vld.idx.msk [tilespmem:v10+s8+$0x0], $0xffff;
	_ =	sdelay $0x1  }
0xcb: {  	v10 =	vshll.u32 v12, $0x1;
	_ =	sdelay $0x3  }
0xcc: {  	[tilespmem:$0x4290] =	vst v9  }
0xcd: {  	v9 =	vld.idx.msk [tilespmem:v10+s10+$0x0], $0xffff;
	_ =	sdelay $0x1  }
0xce: {  	v10 =	vor.u32 $0x1, v10;
	_ =	sdelay $0x3  }
0xcf: {  	[tilespmem:$0x4120] =	vst v9  }
0xd0: {  	v9 =	vld.idx.msk [tilespmem:v10+s10+$0x0], $0xffff;
	_ =	sdelay $0x1  }
0xd1: {  	v10 =	vshll.u32 v13, $0x1;
	_ =	sdelay $0x3  }
0xd2: {  	[tilespmem:$0x41A0] =	vst v9  }
0xd3: {  	v9 =	vld.idx.msk [tilespmem:v10+s8+$0x0], $0xffff;
	_ =	sdelay $0x1  }
0xd4: {  	v10 =	vor.u32 $0x1, v10;
	_ =	sdelay $0x3  }
0xd5: {  	[tilespmem:$0x4220] =	vst v9  }
0xd6: {  	v9 =	vld.idx.msk [tilespmem:v10+s8+$0x0], $0xffff;
	_ =	sdelay $0x1  }
0xd7: {  	v10 =	vshll.u32 v14, $0x1;
	_ =	sdelay $0x3  }
0xd8: {  	[tilespmem:$0x42A0] =	vst v9  }
0xd9: {  	v9 =	vld.idx.msk [tilespmem:v10+s10+$0x0], $0xffff;
	_ =	sdelay $0x1  }
0xda: {  	v10 =	vor.u32 $0x1, v10;
	_ =	sdelay $0x3  }
0xdb: {  	[tilespmem:$0x4130] =	vst v9  }
0xdc: {  	v9 =	vld.idx.msk [tilespmem:v10+s10+$0x0], $0xffff;
	_ =	sdelay $0x1  }
0xdd: {  	v8 =	vshll.u32 v8, $0x1;
	_ =	sdelay $0x3  }
0xde: {  	[tilespmem:$0x41B0] =	vst v9  }
0xdf: {  	v9 =	vld.idx.msk [tilespmem:v8+s8+$0x0], $0xffff;
	_ =	sdelay $0x1  }
0xe0: {  	v8 =	vor.u32 $0x1, v8;
	_ =	sdelay $0x3  }
0xe1: {  	[tilespmem:$0x4230] =	vst v9  }
0xe2: {  	v8 =	vld.idx.msk [tilespmem:v8+s8+$0x0], $0xffff;
	_ =	sdelay $0x1  }
0xe3: {  	v7 =	vshll.u32 v7, $0x1;
	_ =	sdelay $0x3  }
0xe4: {  	[tilespmem:$0x42B0] =	vst v8  }
0xe5: {  	v8 =	vld.idx.msk [tilespmem:v7+s10+$0x0], $0xffff;
	_ =	sdelay $0x1  }
0xe6: {  	v7 =	vor.u32 $0x1, v7;
	_ =	sdelay $0x3  }
0xe7: {  	[tilespmem:$0x4140] =	vst v8  }
0xe8: {  	v7 =	vld.idx.msk [tilespmem:v7+s10+$0x0], $0xffff;
	_ =	sdelay $0x1  }
0xe9: {  	v6 =	vshll.u32 v6, $0x1;
	_ =	sdelay $0x3  }
0xea: {  	[tilespmem:$0x41C0] =	vst v7  }
0xeb: {  	v7 =	vld.idx.msk [tilespmem:v6+s8+$0x0], $0xffff;
	_ =	sdelay $0x1  }
0xec: {  	v6 =	vor.u32 $0x1, v6;
	_ =	sdelay $0x3  }
0xed: {  	[tilespmem:$0x4240] =	vst v7  }
0xee: {  	v6 =	vld.idx.msk [tilespmem:v6+s8+$0x0], $0xffff;
	_ =	sdelay $0x1  }
0xef: {  	v5 =	vshll.u32 v5, $0x1;
	_ =	sdelay $0x3  }
0xf0: {  	[tilespmem:$0x42C0] =	vst v6  }
0xf1: {  	v6 =	vld.idx.msk [tilespmem:v5+s10+$0x0], $0xffff;
	_ =	sdelay $0x1  }
0xf2: {  	v5 =	vor.u32 $0x1, v5;
	_ =	sdelay $0x3  }
0xf3: {  	[tilespmem:$0x4150] =	vst v6  }
0xf4: {  	v5 =	vld.idx.msk [tilespmem:v5+s10+$0x0], $0xffff;
	_ =	sdelay $0x1  }
0xf5: {  	v4 =	vshll.u32 v4, $0x1;
	_ =	sdelay $0x3  }
0xf6: {  	[tilespmem:$0x41D0] =	vst v5  }
0xf7: {  	v5 =	vld.idx.msk [tilespmem:v4+s8+$0x0], $0xffff;
	_ =	sdelay $0x1  }
0xf8: {  	v4 =	vor.u32 $0x1, v4;
	_ =	sdelay $0x3  }
0xf9: {  	[tilespmem:$0x4250] =	vst v5  }
0xfa: {  	v4 =	vld.idx.msk [tilespmem:v4+s8+$0x0], $0xffff;
	_ =	sdelay $0x1  }
0xfb: {  	v3 =	vshll.u32 v3, $0x1;
	_ =	sdelay $0x3  }
0xfc: {  	[tilespmem:$0x42D0] =	vst v4  }
0xfd: {  	v4 =	vld.idx.msk [tilespmem:v3+s10+$0x0], $0xffff;
	_ =	sdelay $0x1  }
0xfe: {  	v3 =	vor.u32 $0x1, v3;
	_ =	sdelay $0x3  }
0xff: {  	[tilespmem:$0x4160] =	vst v4  }
0x100: {  	v3 =	vld.idx.msk [tilespmem:v3+s10+$0x0], $0xffff;
	_ =	sdelay $0x1  }
0x101: {  	v2 =	vshll.u32 v2, $0x1;
	_ =	sdelay $0x3  }
0x102: {  	[tilespmem:$0x41E0] =	vst v3  }
0x103: {  	v3 =	vld.idx.msk [tilespmem:v2+s8+$0x0], $0xffff;
	_ =	sdelay $0x1  }
0x104: {  	v2 =	vor.u32 $0x1, v2;
	_ =	sdelay $0x3  }
0x105: {  	[tilespmem:$0x4260] =	vst v3  }
0x106: {  	v2 =	vld.idx.msk [tilespmem:v2+s8+$0x0], $0xffff;
	_ =	sdelay $0x1  }
0x107: {  	v1 =	vshll.u32 v1, $0x1;
	_ =	sdelay $0x3  }
0x108: {  	[tilespmem:$0x42E0] =	vst v2  }
0x109: {  	v2 =	vld.idx.msk [tilespmem:v1+s10+$0x0], $0xffff;
	_ =	sdelay $0x1  }
0x10a: {  	v1 =	vor.u32 $0x1, v1;
	_ =	sdelay $0x3  }
0x10b: {  	[tilespmem:$0x4170] =	vst v2  }
0x10c: {  	v1 =	vld.idx.msk [tilespmem:v1+s10+$0x0], $0xffff;
	_ =	sdelay $0x1  }
0x10d: {  	v0 =	vshll.u32 v0, $0x1;
	_ =	sdelay $0x3  }
0x10e: {  	[tilespmem:$0x41F0] =	vst v1  }
0x10f: {  	v1 =	vld.idx.msk [tilespmem:v0+s8+$0x0], $0xffff;
	_ =	sdelay $0x1  }
0x110: {  	v0 =	vor.u32 $0x1, v0;
	_ =	sdelay $0x3  }
0x111: {  	[tilespmem:$0x4270] =	vst v1  }
0x112: {  	v0 =	vld.idx.msk [tilespmem:v0+s8+$0x0], $0xffff;
	_ =	sdelay $0x5  }
0x113: {  	[tilespmem:$0x42F0] =	vst v0  }
0x114: {  	[hbm4b:s11+s2] =	stream.linear.scatter [tilespmem:s12], [sflag:$0x1], $0x80, $0x38;
	[tilespmem:$0x4300] =	vst v63  }
0x115: {  	_ =	swait.ge [sflag:s3], $0x80  }
0x116: {  	[sflag:s3] =	ssyncset.done $0x0  }
0x117: {  	[sflag:s3] =	ssyncadd.s32 $0xFFFFFF80  }
0x118: {  	[hbm4b:s13+s2] =	stream.linear.scatter [tilespmem:s14], [sflag:$0x1], $0x80, $0x38;
	[tilespmem:$0x4300] =	vst v63  }
0x119: {  	_ =	swait.ge [sflag:s3], $0x80  }
0x11a: {  	[sflag:s3] =	ssyncset.done $0x0  }
0x11b: {  	[sflag:s3] =	ssyncadd.s32 $0xFFFFFF80  }
0x11c: {  	[hbm4b:s15+s2] =	stream.linear.scatter [tilespmem:s16], [sflag:$0x1], $0x80, $0x38;
	[tilespmem:$0x4300] =	vst v63  }
0x11d: {  	_ =	swait.ge [sflag:s3], $0x80  }
.Ltmp1:
0x11e: {  	[sflag:s3] =	ssyncset.done $0x0;
	(pc) =	sbr.rel @p0 .LBB2_1-.Ltmp1, $4  }
0x11f: {  	[sflag:s3] =	ssyncadd.s32 $0xFFFFFF80  }
0x120: {  	[hbm4b:s17+s2] =	stream.linear.scatter [tilespmem:s18], [sflag:$0x1], $0x80, $0x38;
	[tilespmem:$0x4300] =	vst v63  }
0x121: {  	_ =	swait.ge [sflag:s3], $0x80  }
0x122: {  	[sflag:s3] =	ssyncset.done $0x0  }
.LBB2_2:
0x123: {  	[sflag:s3] =	ssyncadd.s32 $0xFFFFFF80  }
0x124: {  	_ =	sfence.sel $0x180000  }
0x125: {  	[bflag:$0x0] =	sbarrier.arrive $0xFFFF  }
0x126: {  	p0 =	sne.s32 s0, $0x0;
	_ =	strace $0x90000047  }
0x127: {  	s0 =	sadd.s32 @!p0 $0x100000, s1;
	[bflag:$0x2] =	sbarrier.arrive $0xFFFF  }
0x128: {  	[sflag:s0] =	ssyncadd.tile.s32 @!p0 $0x1;
	_ =	shalt  }
.Lfunc_end2:
_tile_overlayer_lowered:
.L_overlay_start_2:
0x129: {  	(tag) =	ssettag $0x2  }
0x12a: {  	s0 =	rddreg [dreg:$0x0];
	s2 =	stileid.u32  }
0x12b: {  	s1 =	rddreg [dreg:$0x1];
	p0 =	sne.s32 s2, $0x0  }
0x12c: {  	s3 =	rddreg [dreg:$0x2];
	[bflag:$0x3] =	sbarrier.arrive $0xFFFF;
	s2 =	simm.s32 @!p0 $0x1C01  }
0x12d: {  	[timem:s3], [sflag:s2] =	dma.local @!p0 [hbm:s0], s1  }
0x12e: {  	s0 =	simm.s32 @!p0 $0x1  }
0x12f: {  	_ =	swait.ge @!p0 [sflag:s0], s1  }
0x130: {  	s1 =	ssub.s32 @!p0 $0x0, s1;
	[sflag:s0] =	ssyncset.done @!p0 $0x0  }
0x131: {  	[sflag:s0] =	ssyncadd.s32 @!p0 s1  }
0x132: {  	[bflag:$0x3] =	sbarrier.arrive $0xFFFF  }
0x133: {  	_ =	shalt  }

</sc_bundles>
